<compile_context>
chip_gen: v7x
topology: tpu7x:2x2x1
jax: 0.10.2.dev20260603
libtpu: 0.0.44.dev20260713+nightly
codegen_flags: <defaults>
</compile_context>

<pallas_src>
import functools

import jax
import jax.numpy as jnp
from jax import lax
from jax.experimental import pallas as pl
from jax.experimental.pallas import tpu as pltpu
from jax.experimental.pallas import tpu_sc as plsc

NUM_EMBEDDINGS = 100000
EMBED_DIM = 128
BATCH = 4096
HIST_LEN = 50

_NC = 2
_NS = 16
_NW = _NC * _NS
_BPW = BATCH // _NW
_K = HIST_LEN

_NBUF = 5
_G = 3
_T = _K // _NBUF


def _make_gather():
    mesh = plsc.VectorSubcoreMesh(core_axis_name="c", subcore_axis_name="s")

    @functools.partial(
        pl.kernel,
        mesh=mesh,
        out_type=jax.ShapeDtypeStruct((HIST_LEN, BATCH, EMBED_DIM),
                                      jnp.float32),
        scratch_types=[
            pltpu.VMEM((_K, _BPW), jnp.int32),
            pltpu.VMEM((_NBUF, _BPW, EMBED_DIM), jnp.float32),
        ]
        + [pltpu.SemaphoreType.DMA] * _NBUF,
    )
    def gather_kernel(idx_hbm, table_hbm, out_hbm, idx_v, rows_v,
                      sem0, sem1, sem2, sem3, sem4):
        sems = [sem0, sem1, sem2, sem3, sem4]
        wid = lax.axis_index("s") * _NC + lax.axis_index("c")
        base_b = wid * _BPW
        pltpu.sync_copy(idx_hbm.at[:, pl.ds(base_b, _BPW)], idx_v)

        def g_start(j, b):
            pltpu.async_copy(table_hbm.at[idx_v.at[j]], rows_v.at[b], sems[b])

        def g_wait(j, b):
            pltpu.make_async_copy(
                table_hbm.at[idx_v.at[j]], rows_v.at[b], sems[b]).wait()

        def out_slice(j):
            return out_hbm.at[j, pl.ds(base_b, _BPW)]

        def s_start(j, b):
            pltpu.async_copy(rows_v.at[b], out_slice(j), sems[b])

        def s_wait(j, b):
            pltpu.make_async_copy(rows_v.at[b], out_slice(j), sems[b]).wait()

        for c in range(_G):
            g_start(c, c % _NBUF)

        def slot(j, b, c_static=None):
            g_wait(j, b)
            s_start(j, b)
            c = j + _G if c_static is None else c_static
            bc = (b + _G) % _NBUF
            if c_static is None or c_static >= _NBUF:
                s_wait(c - _NBUF, bc)
            g_start(c, bc)

        for b in range(_NBUF):
            slot(b, b, c_static=b + _G)

        def outer(t, carry):
            for b in range(_NBUF):
                slot(t * _NBUF + b, b)
            return carry

        lax.fori_loop(1, _T - 1, outer, 0)

        for b in range(_NBUF):
            j = (_T - 1) * _NBUF + b
            g_wait(j, b)
            s_start(j, b)
            c = j + _G
            if c < _K:
                s_wait(c - _NBUF, c % _NBUF)
                g_start(c, c % _NBUF)

        for j in range(_K - _NBUF, _K):
            s_wait(j, j % _NBUF)

    return gather_kernel


_gather = _make_gather()


def kernel(input_, weight):
    idx_t = input_.astype(jnp.int32).T
    out = _gather(idx_t, weight)
    return out.transpose(1, 0, 2)

# --- scband reference (transcript-rebuilt; emitter-appended) ---
"""Pipeline reference for scband-embedding3-d-42640435315419 (READ-ONLY COPY).

The authoritative reference and input builder live on the scoring server;
editing this copy changes nothing except your own understanding.
"""

import jax, jax.numpy as jnp
import numpy as np

NUM_EMBEDDINGS = 100000
EMBED_DIM = 128
PADDING_IDX = 0
BATCH = 4096
HIST_LEN = 50


def setup_inputs(seed: int = 0) -> dict:
    key = jax.random.key(seed)
    k_idx, k_w = jax.random.split(key)
    input_ = jax.random.randint(k_idx, (BATCH, HIST_LEN), 0, NUM_EMBEDDINGS, dtype=jnp.int64 if jax.config.jax_enable_x64 else jnp.int32)
    # learned parameter: embedding table (single-device view of the 3D-parallel weight)
    weight = jax.random.normal(k_w, (NUM_EMBEDDINGS, EMBED_DIM), dtype=jnp.float32) * 0.02
    # padding_idx row is filled with zero at init (matches _fill_padding_idx_with_zero)
    weight = weight.at[PADDING_IDX].set(0.0)
    return {"input_": input_, "weight": weight}


def reference(input_, weight):
    # split_batch_3d is an identity on a single device (depth=1 view).
    # F.embedding(input_, weight, padding_idx) -> row gather; padding row is zero.
    w = weight.at[PADDING_IDX].set(0.0)
    output = jnp.take(w, input_, axis=0)
    return output

if __name__ == "__main__":
    import jax
    _d = setup_inputs()
    print(jax.jit(kernel)(*tuple(_d.values())))

</pallas_src>

<mosaic_0001>
#map = affine_map<(d0, d1) -> (0, 0)>
#map1 = affine_map<(d0, d1) -> (0, 0, 0)>
module attributes {stable_mosaic.version = 14 : i64} {
  func.func @gather_kernel(%arg0: i32, %arg1: i32, %arg2: memref<50x4096xi32, #tpu.memory_space<hbm>>, %arg3: memref<100000x128xf32, #tpu.memory_space<hbm>>, %arg4: memref<50x4096x128xf32, #tpu.memory_space<hbm>>, %arg5: memref<50x128xi32, #tpu.memory_space<vmem>>, %arg6: memref<5x128x128xf32, #tpu.memory_space<vmem>>, %arg7: memref<!tpu.dma_semaphore, #tpu.memory_space<semaphore_mem>>, %arg8: memref<!tpu.dma_semaphore, #tpu.memory_space<semaphore_mem>>, %arg9: memref<!tpu.dma_semaphore, #tpu.memory_space<semaphore_mem>>, %arg10: memref<!tpu.dma_semaphore, #tpu.memory_space<semaphore_mem>>, %arg11: memref<!tpu.dma_semaphore, #tpu.memory_space<semaphore_mem>>) attributes {dimension_semantics = [#tpu.dimension_semantics<core_parallel>, #tpu.dimension_semantics<subcore_parallel>], iteration_bounds = array<i64: 2, 16>, scalar_prefetch = 0 : i64, scratch_operands = 7 : i64, tpu.core_type = #tpu.core_type<sc_vector_subcore>, window_params = [{transform_indices = #map}, {transform_indices = #map}, {transform_indices = #map1}]} {
    %mul3A = arith.constant 2 : i32
    %mul3A_0 = arith.muli %arg1, %mul3A : i32
    %add3A = arith.addi %mul3A_0, %arg0 : i32
    %mul3A_1 = arith.constant 128 : i32
    %mul3A_2 = arith.muli %add3A, %mul3A_1 : i32
    "tpu.region"() ({
      %run_scoped3A = tpu.sem_alloc : memref<!tpu.dma_semaphore, #tpu.memory_space<semaphore_mem>>
      %dma_start3A_566 = arith.constant 0 : i32
      %dma_start3A_567 = tpu.memref_slice %arg2[%dma_start3A_566, %mul3A_2] : memref<50x4096xi32, #tpu.memory_space<hbm>> -> memref<50x128xi32, #tpu.memory_space<hbm>>
      %dma_start3A_568 = arith.constant 0 : i32
      %dma_start3A_569 = tpu.memref_slice %arg2[%dma_start3A_568, %mul3A_2] : memref<50x4096xi32, #tpu.memory_space<hbm>> -> memref<50x128xi32, #tpu.memory_space<hbm>>
      tpu.enqueue_dma source(%dma_start3A_569 : memref<50x128xi32, #tpu.memory_space<hbm>>) target(%arg5 : memref<50x128xi32, #tpu.memory_space<vmem>>) target_semaphore(%run_scoped3A : memref<!tpu.dma_semaphore, #tpu.memory_space<semaphore_mem>>)
      %dma_wait3A_570 = arith.constant 0 : i32
      %dma_wait3A_571 = tpu.memref_slice %arg2[%dma_wait3A_570, %mul3A_2] : memref<50x4096xi32, #tpu.memory_space<hbm>> -> memref<50x128xi32, #tpu.memory_space<hbm>>
      %dma_wait3A_572 = arith.constant 0 : i32
      %dma_wait3A_573 = tpu.memref_slice %arg2[%dma_wait3A_572, %mul3A_2] : memref<50x4096xi32, #tpu.memory_space<hbm>> -> memref<50x128xi32, #tpu.memory_space<hbm>>
      tpu.wait_dma2 semaphore(%run_scoped3A : memref<!tpu.dma_semaphore, #tpu.memory_space<semaphore_mem>>) src(%dma_wait3A_573 : memref<50x128xi32, #tpu.memory_space<hbm>>) dst(%arg5 : memref<50x128xi32, #tpu.memory_space<vmem>>)
      tpu.yield
    }) : () -> ()
    %dma_start3A = arith.constant 0 : i32
    %dma_start3A_3 = arith.constant 0 : i32
    %dma_start3A_4 = arith.constant 0 : i32
    %dma_start3A_5 = arith.constant 0 : i32
    %dma_start3A_6 = tpu.memref_slice %arg6[%dma_start3A_3, %dma_start3A_4, %dma_start3A_5] : memref<5x128x128xf32, #tpu.memory_space<vmem>> -> memref<1x128x128xf32, #tpu.memory_space<vmem>>
    %dma_start3A_7 = tpu.memref_squeeze %dma_start3A_6 : memref<1x128x128xf32, #tpu.memory_space<vmem>> -> memref<128x128xf32, #tpu.memory_space<vmem>>
    %dma_start3A_8 = arith.constant 0 : i32
    %dma_start3A_9 = tpu.memref_slice %arg5[%dma_start3A, %dma_start3A_8] : memref<50x128xi32, #tpu.memory_space<vmem>> -> memref<1x128xi32, #tpu.memory_space<vmem>>
    %dma_start3A_10 = tpu.memref_squeeze %dma_start3A_9 : memref<1x128xi32, #tpu.memory_space<vmem>> -> memref<128xi32, #tpu.memory_space<vmem>>
    %dma_start3A_11 = arith.constant 0 : i32
    %dma_start3A_12 = arith.constant 0 : i32
    %dma_start3A_13 = tpu.memref_slice %arg3[%dma_start3A_11, %dma_start3A_12] : memref<100000x128xf32, #tpu.memory_space<hbm>> -> memref<100000x128xf32, #tpu.memory_space<hbm>>
    tpu.enqueue_indirect_dma source(%dma_start3A_13 : memref<100000x128xf32, #tpu.memory_space<hbm>>) target(%dma_start3A_7 : memref<128x128xf32, #tpu.memory_space<vmem>>) offsets(%dma_start3A_10 : memref<128xi32, #tpu.memory_space<vmem>>) semaphore(%arg7 : memref<!tpu.dma_semaphore, #tpu.memory_space<semaphore_mem>>)
    %dma_start3A_14 = arith.constant 1 : i32
    %dma_start3A_15 = arith.constant 1 : i32
    %dma_start3A_16 = arith.constant 0 : i32
    %dma_start3A_17 = arith.constant 0 : i32
    %dma_start3A_18 = tpu.memref_slice %arg6[%dma_start3A_15, %dma_start3A_16, %dma_start3A_17] : memref<5x128x128xf32, #tpu.memory_space<vmem>> -> memref<1x128x128xf32, #tpu.memory_space<vmem>>
    %dma_start3A_19 = tpu.memref_squeeze %dma_start3A_18 : memref<1x128x128xf32, #tpu.memory_space<vmem>> -> memref<128x128xf32, #tpu.memory_space<vmem>>
    %dma_start3A_20 = arith.constant 0 : i32
    %dma_start3A_21 = tpu.memref_slice %arg5[%dma_start3A_14, %dma_start3A_20] : memref<50x128xi32, #tpu.memory_space<vmem>> -> memref<1x128xi32, #tpu.memory_space<vmem>>
    %dma_start3A_22 = tpu.memref_squeeze %dma_start3A_21 : memref<1x128xi32, #tpu.memory_space<vmem>> -> memref<128xi32, #tpu.memory_space<vmem>>
    %dma_start3A_23 = arith.constant 0 : i32
    %dma_start3A_24 = arith.constant 0 : i32
    %dma_start3A_25 = tpu.memref_slice %arg3[%dma_start3A_23, %dma_start3A_24] : memref<100000x128xf32, #tpu.memory_space<hbm>> -> memref<100000x128xf32, #tpu.memory_space<hbm>>
    tpu.enqueue_indirect_dma source(%dma_start3A_25 : memref<100000x128xf32, #tpu.memory_space<hbm>>) target(%dma_start3A_19 : memref<128x128xf32, #tpu.memory_space<vmem>>) offsets(%dma_start3A_22 : memref<128xi32, #tpu.memory_space<vmem>>) semaphore(%arg8 : memref<!tpu.dma_semaphore, #tpu.memory_space<semaphore_mem>>)
    %dma_start3A_26 = arith.constant 2 : i32
    %dma_start3A_27 = arith.constant 2 : i32
    %dma_start3A_28 = arith.constant 0 : i32
    %dma_start3A_29 = arith.constant 0 : i32
    %dma_start3A_30 = tpu.memref_slice %arg6[%dma_start3A_27, %dma_start3A_28, %dma_start3A_29] : memref<5x128x128xf32, #tpu.memory_space<vmem>> -> memref<1x128x128xf32, #tpu.memory_space<vmem>>
    %dma_start3A_31 = tpu.memref_squeeze %dma_start3A_30 : memref<1x128x128xf32, #tpu.memory_space<vmem>> -> memref<128x128xf32, #tpu.memory_space<vmem>>
    %dma_start3A_32 = arith.constant 0 : i32
    %dma_start3A_33 = tpu.memref_slice %arg5[%dma_start3A_26, %dma_start3A_32] : memref<50x128xi32, #tpu.memory_space<vmem>> -> memref<1x128xi32, #tpu.memory_space<vmem>>
    %dma_start3A_34 = tpu.memref_squeeze %dma_start3A_33 : memref<1x128xi32, #tpu.memory_space<vmem>> -> memref<128xi32, #tpu.memory_space<vmem>>
    %dma_start3A_35 = arith.constant 0 : i32
    %dma_start3A_36 = arith.constant 0 : i32
    %dma_start3A_37 = tpu.memref_slice %arg3[%dma_start3A_35, %dma_start3A_36] : memref<100000x128xf32, #tpu.memory_space<hbm>> -> memref<100000x128xf32, #tpu.memory_space<hbm>>
    tpu.enqueue_indirect_dma source(%dma_start3A_37 : memref<100000x128xf32, #tpu.memory_space<hbm>>) target(%dma_start3A_31 : memref<128x128xf32, #tpu.memory_space<vmem>>) offsets(%dma_start3A_34 : memref<128xi32, #tpu.memory_space<vmem>>) semaphore(%arg9 : memref<!tpu.dma_semaphore, #tpu.memory_space<semaphore_mem>>)
    %dma_wait3A = arith.constant 0 : i32
    %dma_wait3A_38 = arith.constant 0 : i32
    %dma_wait3A_39 = arith.constant 0 : i32
    %dma_wait3A_40 = arith.constant 0 : i32
    %dma_wait3A_41 = tpu.memref_slice %arg6[%dma_wait3A_38, %dma_wait3A_39, %dma_wait3A_40] : memref<5x128x128xf32, #tpu.memory_space<vmem>> -> memref<1x128x128xf32, #tpu.memory_space<vmem>>
    %dma_wait3A_42 = tpu.memref_squeeze %dma_wait3A_41 : memref<1x128x128xf32, #tpu.memory_space<vmem>> -> memref<128x128xf32, #tpu.memory_space<vmem>>
    %dma_wait3A_43 = arith.constant 0 : i32
    %dma_wait3A_44 = tpu.memref_slice %arg5[%dma_wait3A, %dma_wait3A_43] : memref<50x128xi32, #tpu.memory_space<vmem>> -> memref<1x128xi32, #tpu.memory_space<vmem>>
    %dma_wait3A_45 = tpu.memref_squeeze %dma_wait3A_44 : memref<1x128xi32, #tpu.memory_space<vmem>> -> memref<128xi32, #tpu.memory_space<vmem>>
    %dma_wait3A_46 = arith.constant 0 : i32
    %dma_wait3A_47 = arith.constant 0 : i32
    %dma_wait3A_48 = tpu.memref_slice %arg3[%dma_wait3A_46, %dma_wait3A_47] : memref<100000x128xf32, #tpu.memory_space<hbm>> -> memref<100000x128xf32, #tpu.memory_space<hbm>>
    tpu.wait_indirect_dma semaphore(%arg7 : memref<!tpu.dma_semaphore, #tpu.memory_space<semaphore_mem>>) src(%dma_wait3A_48 : memref<100000x128xf32, #tpu.memory_space<hbm>>) dst(%dma_wait3A_42 : memref<128x128xf32, #tpu.memory_space<vmem>>)
    %dma_start3A_49 = arith.constant 0 : i32
    %dma_start3A_50 = arith.constant 0 : i32
    %dma_start3A_51 = arith.constant 0 : i32
    %dma_start3A_52 = arith.constant 0 : i32
    %dma_start3A_53 = tpu.memref_slice %arg6[%dma_start3A_49, %dma_start3A_51, %dma_start3A_52] : memref<5x128x128xf32, #tpu.memory_space<vmem>> -> memref<1x128x128xf32, #tpu.memory_space<vmem>>
    %dma_start3A_54 = tpu.memref_squeeze %dma_start3A_53 : memref<1x128x128xf32, #tpu.memory_space<vmem>> -> memref<128x128xf32, #tpu.memory_space<vmem>>
    %dma_start3A_55 = arith.constant 0 : i32
    %dma_start3A_56 = tpu.memref_slice %arg4[%dma_start3A_50, %mul3A_2, %dma_start3A_55] : memref<50x4096x128xf32, #tpu.memory_space<hbm>> -> memref<1x128x128xf32, #tpu.memory_space<hbm>>
    %dma_start3A_57 = tpu.memref_squeeze %dma_start3A_56 : memref<1x128x128xf32, #tpu.memory_space<hbm>> -> memref<128x128xf32, #tpu.memory_space<hbm>>
    %dma_start3A_58 = arith.constant 0 : i32
    %dma_start3A_59 = tpu.memref_slice %arg4[%dma_start3A_50, %mul3A_2, %dma_start3A_58] : memref<50x4096x128xf32, #tpu.memory_space<hbm>> -> memref<1x128x128xf32, #tpu.memory_space<hbm>>
    %dma_start3A_60 = tpu.memref_squeeze %dma_start3A_59 : memref<1x128x128xf32, #tpu.memory_space<hbm>> -> memref<128x128xf32, #tpu.memory_space<hbm>>
    %dma_start3A_61 = arith.constant 0 : i32
    %dma_start3A_62 = arith.constant 0 : i32
    %dma_start3A_63 = tpu.memref_slice %arg6[%dma_start3A_49, %dma_start3A_61, %dma_start3A_62] : memref<5x128x128xf32, #tpu.memory_space<vmem>> -> memref<1x128x128xf32, #tpu.memory_space<vmem>>
    %dma_start3A_64 = tpu.memref_squeeze %dma_start3A_63 : memref<1x128x128xf32, #tpu.memory_space<vmem>> -> memref<128x128xf32, #tpu.memory_space<vmem>>
    tpu.enqueue_dma source(%dma_start3A_64 : memref<128x128xf32, #tpu.memory_space<vmem>>) target(%dma_start3A_60 : memref<128x128xf32, #tpu.memory_space<hbm>>) target_semaphore(%arg7 : memref<!tpu.dma_semaphore, #tpu.memory_space<semaphore_mem>>)
    %dma_start3A_65 = arith.constant 3 : i32
    %dma_start3A_66 = arith.constant 3 : i32
    %dma_start3A_67 = arith.constant 0 : i32
    %dma_start3A_68 = arith.constant 0 : i32
    %dma_start3A_69 = tpu.memref_slice %arg6[%dma_start3A_66, %dma_start3A_67, %dma_start3A_68] : memref<5x128x128xf32, #tpu.memory_space<vmem>> -> memref<1x128x128xf32, #tpu.memory_space<vmem>>
    %dma_start3A_70 = tpu.memref_squeeze %dma_start3A_69 : memref<1x128x128xf32, #tpu.memory_space<vmem>> -> memref<128x128xf32, #tpu.memory_space<vmem>>
    %dma_start3A_71 = arith.constant 0 : i32
    %dma_start3A_72 = tpu.memref_slice %arg5[%dma_start3A_65, %dma_start3A_71] : memref<50x128xi32, #tpu.memory_space<vmem>> -> memref<1x128xi32, #tpu.memory_space<vmem>>
    %dma_start3A_73 = tpu.memref_squeeze %dma_start3A_72 : memref<1x128xi32, #tpu.memory_space<vmem>> -> memref<128xi32, #tpu.memory_space<vmem>>
    %dma_start3A_74 = arith.constant 0 : i32
    %dma_start3A_75 = arith.constant 0 : i32
    %dma_start3A_76 = tpu.memref_slice %arg3[%dma_start3A_74, %dma_start3A_75] : memref<100000x128xf32, #tpu.memory_space<hbm>> -> memref<100000x128xf32, #tpu.memory_space<hbm>>
    tpu.enqueue_indirect_dma source(%dma_start3A_76 : memref<100000x128xf32, #tpu.memory_space<hbm>>) target(%dma_start3A_70 : memref<128x128xf32, #tpu.memory_space<vmem>>) offsets(%dma_start3A_73 : memref<128xi32, #tpu.memory_space<vmem>>) semaphore(%arg10 : memref<!tpu.dma_semaphore, #tpu.memory_space<semaphore_mem>>)
    %dma_wait3A_77 = arith.constant 1 : i32
    %dma_wait3A_78 = arith.constant 1 : i32
    %dma_wait3A_79 = arith.constant 0 : i32
    %dma_wait3A_80 = arith.constant 0 : i32
    %dma_wait3A_81 = tpu.memref_slice %arg6[%dma_wait3A_78, %dma_wait3A_79, %dma_wait3A_80] : memref<5x128x128xf32, #tpu.memory_space<vmem>> -> memref<1x128x128xf32, #tpu.memory_space<vmem>>
    %dma_wait3A_82 = tpu.memref_squeeze %dma_wait3A_81 : memref<1x128x128xf32, #tpu.memory_space<vmem>> -> memref<128x128xf32, #tpu.memory_space<vmem>>
    %dma_wait3A_83 = arith.constant 0 : i32
    %dma_wait3A_84 = tpu.memref_slice %arg5[%dma_wait3A_77, %dma_wait3A_83] : memref<50x128xi32, #tpu.memory_space<vmem>> -> memref<1x128xi32, #tpu.memory_space<vmem>>
    %dma_wait3A_85 = tpu.memref_squeeze %dma_wait3A_84 : memref<1x128xi32, #tpu.memory_space<vmem>> -> memref<128xi32, #tpu.memory_space<vmem>>
    %dma_wait3A_86 = arith.constant 0 : i32
    %dma_wait3A_87 = arith.constant 0 : i32
    %dma_wait3A_88 = tpu.memref_slice %arg3[%dma_wait3A_86, %dma_wait3A_87] : memref<100000x128xf32, #tpu.memory_space<hbm>> -> memref<100000x128xf32, #tpu.memory_space<hbm>>
    tpu.wait_indirect_dma semaphore(%arg8 : memref<!tpu.dma_semaphore, #tpu.memory_space<semaphore_mem>>) src(%dma_wait3A_88 : memref<100000x128xf32, #tpu.memory_space<hbm>>) dst(%dma_wait3A_82 : memref<128x128xf32, #tpu.memory_space<vmem>>)
    %dma_start3A_89 = arith.constant 1 : i32
    %dma_start3A_90 = arith.constant 1 : i32
    %dma_start3A_91 = arith.constant 0 : i32
    %dma_start3A_92 = arith.constant 0 : i32
    %dma_start3A_93 = tpu.memref_slice %arg6[%dma_start3A_89, %dma_start3A_91, %dma_start3A_92] : memref<5x128x128xf32, #tpu.memory_space<vmem>> -> memref<1x128x128xf32, #tpu.memory_space<vmem>>
    %dma_start3A_94 = tpu.memref_squeeze %dma_start3A_93 : memref<1x128x128xf32, #tpu.memory_space<vmem>> -> memref<128x128xf32, #tpu.memory_space<vmem>>
    %dma_start3A_95 = arith.constant 0 : i32
    %dma_start3A_96 = tpu.memref_slice %arg4[%dma_start3A_90, %mul3A_2, %dma_start3A_95] : memref<50x4096x128xf32, #tpu.memory_space<hbm>> -> memref<1x128x128xf32, #tpu.memory_space<hbm>>
    %dma_start3A_97 = tpu.memref_squeeze %dma_start3A_96 : memref<1x128x128xf32, #tpu.memory_space<hbm>> -> memref<128x128xf32, #tpu.memory_space<hbm>>
    %dma_start3A_98 = arith.constant 0 : i32
    %dma_start3A_99 = tpu.memref_slice %arg4[%dma_start3A_90, %mul3A_2, %dma_start3A_98] : memref<50x4096x128xf32, #tpu.memory_space<hbm>> -> memref<1x128x128xf32, #tpu.memory_space<hbm>>
    %dma_start3A_100 = tpu.memref_squeeze %dma_start3A_99 : memref<1x128x128xf32, #tpu.memory_space<hbm>> -> memref<128x128xf32, #tpu.memory_space<hbm>>
    %dma_start3A_101 = arith.constant 0 : i32
    %dma_start3A_102 = arith.constant 0 : i32
    %dma_start3A_103 = tpu.memref_slice %arg6[%dma_start3A_89, %dma_start3A_101, %dma_start3A_102] : memref<5x128x128xf32, #tpu.memory_space<vmem>> -> memref<1x128x128xf32, #tpu.memory_space<vmem>>
    %dma_start3A_104 = tpu.memref_squeeze %dma_start3A_103 : memref<1x128x128xf32, #tpu.memory_space<vmem>> -> memref<128x128xf32, #tpu.memory_space<vmem>>
    tpu.enqueue_dma source(%dma_start3A_104 : memref<128x128xf32, #tpu.memory_space<vmem>>) target(%dma_start3A_100 : memref<128x128xf32, #tpu.memory_space<hbm>>) target_semaphore(%arg8 : memref<!tpu.dma_semaphore, #tpu.memory_space<semaphore_mem>>)
    %dma_start3A_105 = arith.constant 4 : i32
    %dma_start3A_106 = arith.constant 4 : i32
    %dma_start3A_107 = arith.constant 0 : i32
    %dma_start3A_108 = arith.constant 0 : i32
    %dma_start3A_109 = tpu.memref_slice %arg6[%dma_start3A_106, %dma_start3A_107, %dma_start3A_108] : memref<5x128x128xf32, #tpu.memory_space<vmem>> -> memref<1x128x128xf32, #tpu.memory_space<vmem>>
    %dma_start3A_110 = tpu.memref_squeeze %dma_start3A_109 : memref<1x128x128xf32, #tpu.memory_space<vmem>> -> memref<128x128xf32, #tpu.memory_space<vmem>>
    %dma_start3A_111 = arith.constant 0 : i32
    %dma_start3A_112 = tpu.memref_slice %arg5[%dma_start3A_105, %dma_start3A_111] : memref<50x128xi32, #tpu.memory_space<vmem>> -> memref<1x128xi32, #tpu.memory_space<vmem>>
    %dma_start3A_113 = tpu.memref_squeeze %dma_start3A_112 : memref<1x128xi32, #tpu.memory_space<vmem>> -> memref<128xi32, #tpu.memory_space<vmem>>
    %dma_start3A_114 = arith.constant 0 : i32
    %dma_start3A_115 = arith.constant 0 : i32
    %dma_start3A_116 = tpu.memref_slice %arg3[%dma_start3A_114, %dma_start3A_115] : memref<100000x128xf32, #tpu.memory_space<hbm>> -> memref<100000x128xf32, #tpu.memory_space<hbm>>
    tpu.enqueue_indirect_dma source(%dma_start3A_116 : memref<100000x128xf32, #tpu.memory_space<hbm>>) target(%dma_start3A_110 : memref<128x128xf32, #tpu.memory_space<vmem>>) offsets(%dma_start3A_113 : memref<128xi32, #tpu.memory_space<vmem>>) semaphore(%arg11 : memref<!tpu.dma_semaphore, #tpu.memory_space<semaphore_mem>>)
    %dma_wait3A_117 = arith.constant 2 : i32
    %dma_wait3A_118 = arith.constant 2 : i32
    %dma_wait3A_119 = arith.constant 0 : i32
    %dma_wait3A_120 = arith.constant 0 : i32
    %dma_wait3A_121 = tpu.memref_slice %arg6[%dma_wait3A_118, %dma_wait3A_119, %dma_wait3A_120] : memref<5x128x128xf32, #tpu.memory_space<vmem>> -> memref<1x128x128xf32, #tpu.memory_space<vmem>>
    %dma_wait3A_122 = tpu.memref_squeeze %dma_wait3A_121 : memref<1x128x128xf32, #tpu.memory_space<vmem>> -> memref<128x128xf32, #tpu.memory_space<vmem>>
    %dma_wait3A_123 = arith.constant 0 : i32
    %dma_wait3A_124 = tpu.memref_slice %arg5[%dma_wait3A_117, %dma_wait3A_123] : memref<50x128xi32, #tpu.memory_space<vmem>> -> memref<1x128xi32, #tpu.memory_space<vmem>>
    %dma_wait3A_125 = tpu.memref_squeeze %dma_wait3A_124 : memref<1x128xi32, #tpu.memory_space<vmem>> -> memref<128xi32, #tpu.memory_space<vmem>>
    %dma_wait3A_126 = arith.constant 0 : i32
    %dma_wait3A_127 = arith.constant 0 : i32
    %dma_wait3A_128 = tpu.memref_slice %arg3[%dma_wait3A_126, %dma_wait3A_127] : memref<100000x128xf32, #tpu.memory_space<hbm>> -> memref<100000x128xf32, #tpu.memory_space<hbm>>
    tpu.wait_indirect_dma semaphore(%arg9 : memref<!tpu.dma_semaphore, #tpu.memory_space<semaphore_mem>>) src(%dma_wait3A_128 : memref<100000x128xf32, #tpu.memory_space<hbm>>) dst(%dma_wait3A_122 : memref<128x128xf32, #tpu.memory_space<vmem>>)
    %dma_start3A_129 = arith.constant 2 : i32
    %dma_start3A_130 = arith.constant 2 : i32
    %dma_start3A_131 = arith.constant 0 : i32
    %dma_start3A_132 = arith.constant 0 : i32
    %dma_start3A_133 = tpu.memref_slice %arg6[%dma_start3A_129, %dma_start3A_131, %dma_start3A_132] : memref<5x128x128xf32, #tpu.memory_space<vmem>> -> memref<1x128x128xf32, #tpu.memory_space<vmem>>
    %dma_start3A_134 = tpu.memref_squeeze %dma_start3A_133 : memref<1x128x128xf32, #tpu.memory_space<vmem>> -> memref<128x128xf32, #tpu.memory_space<vmem>>
    %dma_start3A_135 = arith.constant 0 : i32
    %dma_start3A_136 = tpu.memref_slice %arg4[%dma_start3A_130, %mul3A_2, %dma_start3A_135] : memref<50x4096x128xf32, #tpu.memory_space<hbm>> -> memref<1x128x128xf32, #tpu.memory_space<hbm>>
    %dma_start3A_137 = tpu.memref_squeeze %dma_start3A_136 : memref<1x128x128xf32, #tpu.memory_space<hbm>> -> memref<128x128xf32, #tpu.memory_space<hbm>>
    %dma_start3A_138 = arith.constant 0 : i32
    %dma_start3A_139 = tpu.memref_slice %arg4[%dma_start3A_130, %mul3A_2, %dma_start3A_138] : memref<50x4096x128xf32, #tpu.memory_space<hbm>> -> memref<1x128x128xf32, #tpu.memory_space<hbm>>
    %dma_start3A_140 = tpu.memref_squeeze %dma_start3A_139 : memref<1x128x128xf32, #tpu.memory_space<hbm>> -> memref<128x128xf32, #tpu.memory_space<hbm>>
    %dma_start3A_141 = arith.constant 0 : i32
    %dma_start3A_142 = arith.constant 0 : i32
    %dma_start3A_143 = tpu.memref_slice %arg6[%dma_start3A_129, %dma_start3A_141, %dma_start3A_142] : memref<5x128x128xf32, #tpu.memory_space<vmem>> -> memref<1x128x128xf32, #tpu.memory_space<vmem>>
    %dma_start3A_144 = tpu.memref_squeeze %dma_start3A_143 : memref<1x128x128xf32, #tpu.memory_space<vmem>> -> memref<128x128xf32, #tpu.memory_space<vmem>>
    tpu.enqueue_dma source(%dma_start3A_144 : memref<128x128xf32, #tpu.memory_space<vmem>>) target(%dma_start3A_140 : memref<128x128xf32, #tpu.memory_space<hbm>>) target_semaphore(%arg9 : memref<!tpu.dma_semaphore, #tpu.memory_space<semaphore_mem>>)
    %dma_wait3A_145 = arith.constant 0 : i32
    %dma_wait3A_146 = arith.constant 0 : i32
    %dma_wait3A_147 = arith.constant 0 : i32
    %dma_wait3A_148 = arith.constant 0 : i32
    %dma_wait3A_149 = tpu.memref_slice %arg6[%dma_wait3A_145, %dma_wait3A_147, %dma_wait3A_148] : memref<5x128x128xf32, #tpu.memory_space<vmem>> -> memref<1x128x128xf32, #tpu.memory_space<vmem>>
    %dma_wait3A_150 = tpu.memref_squeeze %dma_wait3A_149 : memref<1x128x128xf32, #tpu.memory_space<vmem>> -> memref<128x128xf32, #tpu.memory_space<vmem>>
    %dma_wait3A_151 = arith.constant 0 : i32
    %dma_wait3A_152 = tpu.memref_slice %arg4[%dma_wait3A_146, %mul3A_2, %dma_wait3A_151] : memref<50x4096x128xf32, #tpu.memory_space<hbm>> -> memref<1x128x128xf32, #tpu.memory_space<hbm>>
    %dma_wait3A_153 = tpu.memref_squeeze %dma_wait3A_152 : memref<1x128x128xf32, #tpu.memory_space<hbm>> -> memref<128x128xf32, #tpu.memory_space<hbm>>
    %dma_wait3A_154 = arith.constant 0 : i32
    %dma_wait3A_155 = tpu.memref_slice %arg4[%dma_wait3A_146, %mul3A_2, %dma_wait3A_154] : memref<50x4096x128xf32, #tpu.memory_space<hbm>> -> memref<1x128x128xf32, #tpu.memory_space<hbm>>
    %dma_wait3A_156 = tpu.memref_squeeze %dma_wait3A_155 : memref<1x128x128xf32, #tpu.memory_space<hbm>> -> memref<128x128xf32, #tpu.memory_space<hbm>>
    %dma_wait3A_157 = arith.constant 0 : i32
    %dma_wait3A_158 = arith.constant 0 : i32
    %dma_wait3A_159 = tpu.memref_slice %arg6[%dma_wait3A_145, %dma_wait3A_157, %dma_wait3A_158] : memref<5x128x128xf32, #tpu.memory_space<vmem>> -> memref<1x128x128xf32, #tpu.memory_space<vmem>>
    %dma_wait3A_160 = tpu.memref_squeeze %dma_wait3A_159 : memref<1x128x128xf32, #tpu.memory_space<vmem>> -> memref<128x128xf32, #tpu.memory_space<vmem>>
    tpu.wait_dma2 semaphore(%arg7 : memref<!tpu.dma_semaphore, #tpu.memory_space<semaphore_mem>>) src(%dma_wait3A_160 : memref<128x128xf32, #tpu.memory_space<vmem>>) dst(%dma_wait3A_156 : memref<128x128xf32, #tpu.memory_space<hbm>>)
    %dma_start3A_161 = arith.constant 5 : i32
    %dma_start3A_162 = arith.constant 0 : i32
    %dma_start3A_163 = arith.constant 0 : i32
    %dma_start3A_164 = arith.constant 0 : i32
    %dma_start3A_165 = tpu.memref_slice %arg6[%dma_start3A_162, %dma_start3A_163, %dma_start3A_164] : memref<5x128x128xf32, #tpu.memory_space<vmem>> -> memref<1x128x128xf32, #tpu.memory_space<vmem>>
    %dma_start3A_166 = tpu.memref_squeeze %dma_start3A_165 : memref<1x128x128xf32, #tpu.memory_space<vmem>> -> memref<128x128xf32, #tpu.memory_space<vmem>>
    %dma_start3A_167 = arith.constant 0 : i32
    %dma_start3A_168 = tpu.memref_slice %arg5[%dma_start3A_161, %dma_start3A_167] : memref<50x128xi32, #tpu.memory_space<vmem>> -> memref<1x128xi32, #tpu.memory_space<vmem>>
    %dma_start3A_169 = tpu.memref_squeeze %dma_start3A_168 : memref<1x128xi32, #tpu.memory_space<vmem>> -> memref<128xi32, #tpu.memory_space<vmem>>
    %dma_start3A_170 = arith.constant 0 : i32
    %dma_start3A_171 = arith.constant 0 : i32
    %dma_start3A_172 = tpu.memref_slice %arg3[%dma_start3A_170, %dma_start3A_171] : memref<100000x128xf32, #tpu.memory_space<hbm>> -> memref<100000x128xf32, #tpu.memory_space<hbm>>
    tpu.enqueue_indirect_dma source(%dma_start3A_172 : memref<100000x128xf32, #tpu.memory_space<hbm>>) target(%dma_start3A_166 : memref<128x128xf32, #tpu.memory_space<vmem>>) offsets(%dma_start3A_169 : memref<128xi32, #tpu.memory_space<vmem>>) semaphore(%arg7 : memref<!tpu.dma_semaphore, #tpu.memory_space<semaphore_mem>>)
    %dma_wait3A_173 = arith.constant 3 : i32
    %dma_wait3A_174 = arith.constant 3 : i32
    %dma_wait3A_175 = arith.constant 0 : i32
    %dma_wait3A_176 = arith.constant 0 : i32
    %dma_wait3A_177 = tpu.memref_slice %arg6[%dma_wait3A_174, %dma_wait3A_175, %dma_wait3A_176] : memref<5x128x128xf32, #tpu.memory_space<vmem>> -> memref<1x128x128xf32, #tpu.memory_space<vmem>>
    %dma_wait3A_178 = tpu.memref_squeeze %dma_wait3A_177 : memref<1x128x128xf32, #tpu.memory_space<vmem>> -> memref<128x128xf32, #tpu.memory_space<vmem>>
    %dma_wait3A_179 = arith.constant 0 : i32
    %dma_wait3A_180 = tpu.memref_slice %arg5[%dma_wait3A_173, %dma_wait3A_179] : memref<50x128xi32, #tpu.memory_space<vmem>> -> memref<1x128xi32, #tpu.memory_space<vmem>>
    %dma_wait3A_181 = tpu.memref_squeeze %dma_wait3A_180 : memref<1x128xi32, #tpu.memory_space<vmem>> -> memref<128xi32, #tpu.memory_space<vmem>>
    %dma_wait3A_182 = arith.constant 0 : i32
    %dma_wait3A_183 = arith.constant 0 : i32
    %dma_wait3A_184 = tpu.memref_slice %arg3[%dma_wait3A_182, %dma_wait3A_183] : memref<100000x128xf32, #tpu.memory_space<hbm>> -> memref<100000x128xf32, #tpu.memory_space<hbm>>
    tpu.wait_indirect_dma semaphore(%arg10 : memref<!tpu.dma_semaphore, #tpu.memory_space<semaphore_mem>>) src(%dma_wait3A_184 : memref<100000x128xf32, #tpu.memory_space<hbm>>) dst(%dma_wait3A_178 : memref<128x128xf32, #tpu.memory_space<vmem>>)
    %dma_start3A_185 = arith.constant 3 : i32
    %dma_start3A_186 = arith.constant 3 : i32
    %dma_start3A_187 = arith.constant 0 : i32
    %dma_start3A_188 = arith.constant 0 : i32
    %dma_start3A_189 = tpu.memref_slice %arg6[%dma_start3A_185, %dma_start3A_187, %dma_start3A_188] : memref<5x128x128xf32, #tpu.memory_space<vmem>> -> memref<1x128x128xf32, #tpu.memory_space<vmem>>
    %dma_start3A_190 = tpu.memref_squeeze %dma_start3A_189 : memref<1x128x128xf32, #tpu.memory_space<vmem>> -> memref<128x128xf32, #tpu.memory_space<vmem>>
    %dma_start3A_191 = arith.constant 0 : i32
    %dma_start3A_192 = tpu.memref_slice %arg4[%dma_start3A_186, %mul3A_2, %dma_start3A_191] : memref<50x4096x128xf32, #tpu.memory_space<hbm>> -> memref<1x128x128xf32, #tpu.memory_space<hbm>>
    %dma_start3A_193 = tpu.memref_squeeze %dma_start3A_192 : memref<1x128x128xf32, #tpu.memory_space<hbm>> -> memref<128x128xf32, #tpu.memory_space<hbm>>
    %dma_start3A_194 = arith.constant 0 : i32
    %dma_start3A_195 = tpu.memref_slice %arg4[%dma_start3A_186, %mul3A_2, %dma_start3A_194] : memref<50x4096x128xf32, #tpu.memory_space<hbm>> -> memref<1x128x128xf32, #tpu.memory_space<hbm>>
    %dma_start3A_196 = tpu.memref_squeeze %dma_start3A_195 : memref<1x128x128xf32, #tpu.memory_space<hbm>> -> memref<128x128xf32, #tpu.memory_space<hbm>>
    %dma_start3A_197 = arith.constant 0 : i32
    %dma_start3A_198 = arith.constant 0 : i32
    %dma_start3A_199 = tpu.memref_slice %arg6[%dma_start3A_185, %dma_start3A_197, %dma_start3A_198] : memref<5x128x128xf32, #tpu.memory_space<vmem>> -> memref<1x128x128xf32, #tpu.memory_space<vmem>>
    %dma_start3A_200 = tpu.memref_squeeze %dma_start3A_199 : memref<1x128x128xf32, #tpu.memory_space<vmem>> -> memref<128x128xf32, #tpu.memory_space<vmem>>
    tpu.enqueue_dma source(%dma_start3A_200 : memref<128x128xf32, #tpu.memory_space<vmem>>) target(%dma_start3A_196 : memref<128x128xf32, #tpu.memory_space<hbm>>) target_semaphore(%arg10 : memref<!tpu.dma_semaphore, #tpu.memory_space<semaphore_mem>>)
    %dma_wait3A_201 = arith.constant 1 : i32
    %dma_wait3A_202 = arith.constant 1 : i32
    %dma_wait3A_203 = arith.constant 0 : i32
    %dma_wait3A_204 = arith.constant 0 : i32
    %dma_wait3A_205 = tpu.memref_slice %arg6[%dma_wait3A_201, %dma_wait3A_203, %dma_wait3A_204] : memref<5x128x128xf32, #tpu.memory_space<vmem>> -> memref<1x128x128xf32, #tpu.memory_space<vmem>>
    %dma_wait3A_206 = tpu.memref_squeeze %dma_wait3A_205 : memref<1x128x128xf32, #tpu.memory_space<vmem>> -> memref<128x128xf32, #tpu.memory_space<vmem>>
    %dma_wait3A_207 = arith.constant 0 : i32
    %dma_wait3A_208 = tpu.memref_slice %arg4[%dma_wait3A_202, %mul3A_2, %dma_wait3A_207] : memref<50x4096x128xf32, #tpu.memory_space<hbm>> -> memref<1x128x128xf32, #tpu.memory_space<hbm>>
    %dma_wait3A_209 = tpu.memref_squeeze %dma_wait3A_208 : memref<1x128x128xf32, #tpu.memory_space<hbm>> -> memref<128x128xf32, #tpu.memory_space<hbm>>
    %dma_wait3A_210 = arith.constant 0 : i32
    %dma_wait3A_211 = tpu.memref_slice %arg4[%dma_wait3A_202, %mul3A_2, %dma_wait3A_210] : memref<50x4096x128xf32, #tpu.memory_space<hbm>> -> memref<1x128x128xf32, #tpu.memory_space<hbm>>
    %dma_wait3A_212 = tpu.memref_squeeze %dma_wait3A_211 : memref<1x128x128xf32, #tpu.memory_space<hbm>> -> memref<128x128xf32, #tpu.memory_space<hbm>>
    %dma_wait3A_213 = arith.constant 0 : i32
    %dma_wait3A_214 = arith.constant 0 : i32
    %dma_wait3A_215 = tpu.memref_slice %arg6[%dma_wait3A_201, %dma_wait3A_213, %dma_wait3A_214] : memref<5x128x128xf32, #tpu.memory_space<vmem>> -> memref<1x128x128xf32, #tpu.memory_space<vmem>>
    %dma_wait3A_216 = tpu.memref_squeeze %dma_wait3A_215 : memref<1x128x128xf32, #tpu.memory_space<vmem>> -> memref<128x128xf32, #tpu.memory_space<vmem>>
    tpu.wait_dma2 semaphore(%arg8 : memref<!tpu.dma_semaphore, #tpu.memory_space<semaphore_mem>>) src(%dma_wait3A_216 : memref<128x128xf32, #tpu.memory_space<vmem>>) dst(%dma_wait3A_212 : memref<128x128xf32, #tpu.memory_space<hbm>>)
    %dma_start3A_217 = arith.constant 6 : i32
    %dma_start3A_218 = arith.constant 1 : i32
    %dma_start3A_219 = arith.constant 0 : i32
    %dma_start3A_220 = arith.constant 0 : i32
    %dma_start3A_221 = tpu.memref_slice %arg6[%dma_start3A_218, %dma_start3A_219, %dma_start3A_220] : memref<5x128x128xf32, #tpu.memory_space<vmem>> -> memref<1x128x128xf32, #tpu.memory_space<vmem>>
    %dma_start3A_222 = tpu.memref_squeeze %dma_start3A_221 : memref<1x128x128xf32, #tpu.memory_space<vmem>> -> memref<128x128xf32, #tpu.memory_space<vmem>>
    %dma_start3A_223 = arith.constant 0 : i32
    %dma_start3A_224 = tpu.memref_slice %arg5[%dma_start3A_217, %dma_start3A_223] : memref<50x128xi32, #tpu.memory_space<vmem>> -> memref<1x128xi32, #tpu.memory_space<vmem>>
    %dma_start3A_225 = tpu.memref_squeeze %dma_start3A_224 : memref<1x128xi32, #tpu.memory_space<vmem>> -> memref<128xi32, #tpu.memory_space<vmem>>
    %dma_start3A_226 = arith.constant 0 : i32
    %dma_start3A_227 = arith.constant 0 : i32
    %dma_start3A_228 = tpu.memref_slice %arg3[%dma_start3A_226, %dma_start3A_227] : memref<100000x128xf32, #tpu.memory_space<hbm>> -> memref<100000x128xf32, #tpu.memory_space<hbm>>
    tpu.enqueue_indirect_dma source(%dma_start3A_228 : memref<100000x128xf32, #tpu.memory_space<hbm>>) target(%dma_start3A_222 : memref<128x128xf32, #tpu.memory_space<vmem>>) offsets(%dma_start3A_225 : memref<128xi32, #tpu.memory_space<vmem>>) semaphore(%arg8 : memref<!tpu.dma_semaphore, #tpu.memory_space<semaphore_mem>>)
    %dma_wait3A_229 = arith.constant 4 : i32
    %dma_wait3A_230 = arith.constant 4 : i32
    %dma_wait3A_231 = arith.constant 0 : i32
    %dma_wait3A_232 = arith.constant 0 : i32
    %dma_wait3A_233 = tpu.memref_slice %arg6[%dma_wait3A_230, %dma_wait3A_231, %dma_wait3A_232] : memref<5x128x128xf32, #tpu.memory_space<vmem>> -> memref<1x128x128xf32, #tpu.memory_space<vmem>>
    %dma_wait3A_234 = tpu.memref_squeeze %dma_wait3A_233 : memref<1x128x128xf32, #tpu.memory_space<vmem>> -> memref<128x128xf32, #tpu.memory_space<vmem>>
    %dma_wait3A_235 = arith.constant 0 : i32
    %dma_wait3A_236 = tpu.memref_slice %arg5[%dma_wait3A_229, %dma_wait3A_235] : memref<50x128xi32, #tpu.memory_space<vmem>> -> memref<1x128xi32, #tpu.memory_space<vmem>>
    %dma_wait3A_237 = tpu.memref_squeeze %dma_wait3A_236 : memref<1x128xi32, #tpu.memory_space<vmem>> -> memref<128xi32, #tpu.memory_space<vmem>>
    %dma_wait3A_238 = arith.constant 0 : i32
    %dma_wait3A_239 = arith.constant 0 : i32
    %dma_wait3A_240 = tpu.memref_slice %arg3[%dma_wait3A_238, %dma_wait3A_239] : memref<100000x128xf32, #tpu.memory_space<hbm>> -> memref<100000x128xf32, #tpu.memory_space<hbm>>
    tpu.wait_indirect_dma semaphore(%arg11 : memref<!tpu.dma_semaphore, #tpu.memory_space<semaphore_mem>>) src(%dma_wait3A_240 : memref<100000x128xf32, #tpu.memory_space<hbm>>) dst(%dma_wait3A_234 : memref<128x128xf32, #tpu.memory_space<vmem>>)
    %dma_start3A_241 = arith.constant 4 : i32
    %dma_start3A_242 = arith.constant 4 : i32
    %dma_start3A_243 = arith.constant 0 : i32
    %dma_start3A_244 = arith.constant 0 : i32
    %dma_start3A_245 = tpu.memref_slice %arg6[%dma_start3A_241, %dma_start3A_243, %dma_start3A_244] : memref<5x128x128xf32, #tpu.memory_space<vmem>> -> memref<1x128x128xf32, #tpu.memory_space<vmem>>
    %dma_start3A_246 = tpu.memref_squeeze %dma_start3A_245 : memref<1x128x128xf32, #tpu.memory_space<vmem>> -> memref<128x128xf32, #tpu.memory_space<vmem>>
    %dma_start3A_247 = arith.constant 0 : i32
    %dma_start3A_248 = tpu.memref_slice %arg4[%dma_start3A_242, %mul3A_2, %dma_start3A_247] : memref<50x4096x128xf32, #tpu.memory_space<hbm>> -> memref<1x128x128xf32, #tpu.memory_space<hbm>>
    %dma_start3A_249 = tpu.memref_squeeze %dma_start3A_248 : memref<1x128x128xf32, #tpu.memory_space<hbm>> -> memref<128x128xf32, #tpu.memory_space<hbm>>
    %dma_start3A_250 = arith.constant 0 : i32
    %dma_start3A_251 = tpu.memref_slice %arg4[%dma_start3A_242, %mul3A_2, %dma_start3A_250] : memref<50x4096x128xf32, #tpu.memory_space<hbm>> -> memref<1x128x128xf32, #tpu.memory_space<hbm>>
    %dma_start3A_252 = tpu.memref_squeeze %dma_start3A_251 : memref<1x128x128xf32, #tpu.memory_space<hbm>> -> memref<128x128xf32, #tpu.memory_space<hbm>>
    %dma_start3A_253 = arith.constant 0 : i32
    %dma_start3A_254 = arith.constant 0 : i32
    %dma_start3A_255 = tpu.memref_slice %arg6[%dma_start3A_241, %dma_start3A_253, %dma_start3A_254] : memref<5x128x128xf32, #tpu.memory_space<vmem>> -> memref<1x128x128xf32, #tpu.memory_space<vmem>>
    %dma_start3A_256 = tpu.memref_squeeze %dma_start3A_255 : memref<1x128x128xf32, #tpu.memory_space<vmem>> -> memref<128x128xf32, #tpu.memory_space<vmem>>
    tpu.enqueue_dma source(%dma_start3A_256 : memref<128x128xf32, #tpu.memory_space<vmem>>) target(%dma_start3A_252 : memref<128x128xf32, #tpu.memory_space<hbm>>) target_semaphore(%arg11 : memref<!tpu.dma_semaphore, #tpu.memory_space<semaphore_mem>>)
    %dma_wait3A_257 = arith.constant 2 : i32
    %dma_wait3A_258 = arith.constant 2 : i32
    %dma_wait3A_259 = arith.constant 0 : i32
    %dma_wait3A_260 = arith.constant 0 : i32
    %dma_wait3A_261 = tpu.memref_slice %arg6[%dma_wait3A_257, %dma_wait3A_259, %dma_wait3A_260] : memref<5x128x128xf32, #tpu.memory_space<vmem>> -> memref<1x128x128xf32, #tpu.memory_space<vmem>>
    %dma_wait3A_262 = tpu.memref_squeeze %dma_wait3A_261 : memref<1x128x128xf32, #tpu.memory_space<vmem>> -> memref<128x128xf32, #tpu.memory_space<vmem>>
    %dma_wait3A_263 = arith.constant 0 : i32
    %dma_wait3A_264 = tpu.memref_slice %arg4[%dma_wait3A_258, %mul3A_2, %dma_wait3A_263] : memref<50x4096x128xf32, #tpu.memory_space<hbm>> -> memref<1x128x128xf32, #tpu.memory_space<hbm>>
    %dma_wait3A_265 = tpu.memref_squeeze %dma_wait3A_264 : memref<1x128x128xf32, #tpu.memory_space<hbm>> -> memref<128x128xf32, #tpu.memory_space<hbm>>
    %dma_wait3A_266 = arith.constant 0 : i32
    %dma_wait3A_267 = tpu.memref_slice %arg4[%dma_wait3A_258, %mul3A_2, %dma_wait3A_266] : memref<50x4096x128xf32, #tpu.memory_space<hbm>> -> memref<1x128x128xf32, #tpu.memory_space<hbm>>
    %dma_wait3A_268 = tpu.memref_squeeze %dma_wait3A_267 : memref<1x128x128xf32, #tpu.memory_space<hbm>> -> memref<128x128xf32, #tpu.memory_space<hbm>>
    %dma_wait3A_269 = arith.constant 0 : i32
    %dma_wait3A_270 = arith.constant 0 : i32
    %dma_wait3A_271 = tpu.memref_slice %arg6[%dma_wait3A_257, %dma_wait3A_269, %dma_wait3A_270] : memref<5x128x128xf32, #tpu.memory_space<vmem>> -> memref<1x128x128xf32, #tpu.memory_space<vmem>>
    %dma_wait3A_272 = tpu.memref_squeeze %dma_wait3A_271 : memref<1x128x128xf32, #tpu.memory_space<vmem>> -> memref<128x128xf32, #tpu.memory_space<vmem>>
    tpu.wait_dma2 semaphore(%arg9 : memref<!tpu.dma_semaphore, #tpu.memory_space<semaphore_mem>>) src(%dma_wait3A_272 : memref<128x128xf32, #tpu.memory_space<vmem>>) dst(%dma_wait3A_268 : memref<128x128xf32, #tpu.memory_space<hbm>>)
    %dma_start3A_273 = arith.constant 7 : i32
    %dma_start3A_274 = arith.constant 2 : i32
    %dma_start3A_275 = arith.constant 0 : i32
    %dma_start3A_276 = arith.constant 0 : i32
    %dma_start3A_277 = tpu.memref_slice %arg6[%dma_start3A_274, %dma_start3A_275, %dma_start3A_276] : memref<5x128x128xf32, #tpu.memory_space<vmem>> -> memref<1x128x128xf32, #tpu.memory_space<vmem>>
    %dma_start3A_278 = tpu.memref_squeeze %dma_start3A_277 : memref<1x128x128xf32, #tpu.memory_space<vmem>> -> memref<128x128xf32, #tpu.memory_space<vmem>>
    %dma_start3A_279 = arith.constant 0 : i32
    %dma_start3A_280 = tpu.memref_slice %arg5[%dma_start3A_273, %dma_start3A_279] : memref<50x128xi32, #tpu.memory_space<vmem>> -> memref<1x128xi32, #tpu.memory_space<vmem>>
    %dma_start3A_281 = tpu.memref_squeeze %dma_start3A_280 : memref<1x128xi32, #tpu.memory_space<vmem>> -> memref<128xi32, #tpu.memory_space<vmem>>
    %dma_start3A_282 = arith.constant 0 : i32
    %dma_start3A_283 = arith.constant 0 : i32
    %dma_start3A_284 = tpu.memref_slice %arg3[%dma_start3A_282, %dma_start3A_283] : memref<100000x128xf32, #tpu.memory_space<hbm>> -> memref<100000x128xf32, #tpu.memory_space<hbm>>
    tpu.enqueue_indirect_dma source(%dma_start3A_284 : memref<100000x128xf32, #tpu.memory_space<hbm>>) target(%dma_start3A_278 : memref<128x128xf32, #tpu.memory_space<vmem>>) offsets(%dma_start3A_281 : memref<128xi32, #tpu.memory_space<vmem>>) semaphore(%arg9 : memref<!tpu.dma_semaphore, #tpu.memory_space<semaphore_mem>>)
    %scan3A = arith.constant 0 : i32
    %scan3A_285 = arith.constant 1 : i32
    %scan3A_286 = arith.constant 8 : i32
    %scan3A_287 = arith.addi %scan3A_285, %scan3A_286 : i32
    %scan3A_288 = arith.constant 1 : i32
    scf.for %scan3A_566 = %scan3A_285 to %scan3A_287 step %scan3A_288  : i32 {
      %mul3A_567 = arith.constant 5 : i32
      %mul3A_568 = arith.muli %scan3A_566, %mul3A_567 : i32
      %add3A_569 = arith.constant 0 : i32
      %add3A_570 = arith.addi %mul3A_568, %add3A_569 : i32
      %dma_wait3A_571 = arith.constant 0 : i32
      %dma_wait3A_572 = arith.constant 0 : i32
      %dma_wait3A_573 = arith.constant 0 : i32
      %dma_wait3A_574 = tpu.memref_slice %arg6[%dma_wait3A_571, %dma_wait3A_572, %dma_wait3A_573] : memref<5x128x128xf32, #tpu.memory_space<vmem>> -> memref<1x128x128xf32, #tpu.memory_space<vmem>>
      %dma_wait3A_575 = tpu.memref_squeeze %dma_wait3A_574 : memref<1x128x128xf32, #tpu.memory_space<vmem>> -> memref<128x128xf32, #tpu.memory_space<vmem>>
      %dma_wait3A_576 = arith.constant 0 : i32
      %dma_wait3A_577 = tpu.memref_slice %arg5[%add3A_570, %dma_wait3A_576] : memref<50x128xi32, #tpu.memory_space<vmem>> -> memref<1x128xi32, #tpu.memory_space<vmem>>
      %dma_wait3A_578 = tpu.memref_squeeze %dma_wait3A_577 : memref<1x128xi32, #tpu.memory_space<vmem>> -> memref<128xi32, #tpu.memory_space<vmem>>
      %dma_wait3A_579 = arith.constant 0 : i32
      %dma_wait3A_580 = arith.constant 0 : i32
      %dma_wait3A_581 = tpu.memref_slice %arg3[%dma_wait3A_579, %dma_wait3A_580] : memref<100000x128xf32, #tpu.memory_space<hbm>> -> memref<100000x128xf32, #tpu.memory_space<hbm>>
      tpu.wait_indirect_dma semaphore(%arg7 : memref<!tpu.dma_semaphore, #tpu.memory_space<semaphore_mem>>) src(%dma_wait3A_581 : memref<100000x128xf32, #tpu.memory_space<hbm>>) dst(%dma_wait3A_575 : memref<128x128xf32, #tpu.memory_space<vmem>>)
      %dma_start3A_582 = arith.constant 0 : i32
      %dma_start3A_583 = arith.constant 0 : i32
      %dma_start3A_584 = arith.constant 0 : i32
      %dma_start3A_585 = tpu.memref_slice %arg6[%dma_start3A_582, %dma_start3A_583, %dma_start3A_584] : memref<5x128x128xf32, #tpu.memory_space<vmem>> -> memref<1x128x128xf32, #tpu.memory_space<vmem>>
      %dma_start3A_586 = tpu.memref_squeeze %dma_start3A_585 : memref<1x128x128xf32, #tpu.memory_space<vmem>> -> memref<128x128xf32, #tpu.memory_space<vmem>>
      %dma_start3A_587 = arith.constant 0 : i32
      %dma_start3A_588 = tpu.memref_slice %arg4[%add3A_570, %mul3A_2, %dma_start3A_587] : memref<50x4096x128xf32, #tpu.memory_space<hbm>> -> memref<1x128x128xf32, #tpu.memory_space<hbm>>
      %dma_start3A_589 = tpu.memref_squeeze %dma_start3A_588 : memref<1x128x128xf32, #tpu.memory_space<hbm>> -> memref<128x128xf32, #tpu.memory_space<hbm>>
      %dma_start3A_590 = arith.constant 0 : i32
      %dma_start3A_591 = tpu.memref_slice %arg4[%add3A_570, %mul3A_2, %dma_start3A_590] : memref<50x4096x128xf32, #tpu.memory_space<hbm>> -> memref<1x128x128xf32, #tpu.memory_space<hbm>>
      %dma_start3A_592 = tpu.memref_squeeze %dma_start3A_591 : memref<1x128x128xf32, #tpu.memory_space<hbm>> -> memref<128x128xf32, #tpu.memory_space<hbm>>
      %dma_start3A_593 = arith.constant 0 : i32
      %dma_start3A_594 = arith.constant 0 : i32
      %dma_start3A_595 = tpu.memref_slice %arg6[%dma_start3A_582, %dma_start3A_593, %dma_start3A_594] : memref<5x128x128xf32, #tpu.memory_space<vmem>> -> memref<1x128x128xf32, #tpu.memory_space<vmem>>
      %dma_start3A_596 = tpu.memref_squeeze %dma_start3A_595 : memref<1x128x128xf32, #tpu.memory_space<vmem>> -> memref<128x128xf32, #tpu.memory_space<vmem>>
      tpu.enqueue_dma source(%dma_start3A_596 : memref<128x128xf32, #tpu.memory_space<vmem>>) target(%dma_start3A_592 : memref<128x128xf32, #tpu.memory_space<hbm>>) target_semaphore(%arg7 : memref<!tpu.dma_semaphore, #tpu.memory_space<semaphore_mem>>)
      %add3A_597 = arith.constant 3 : i32
      %add3A_598 = arith.addi %add3A_570, %add3A_597 : i32
      %sub3A = arith.constant 5 : i32
      %sub3A_599 = arith.subi %add3A_598, %sub3A : i32
      %dma_wait3A_600 = arith.constant 3 : i32
      %dma_wait3A_601 = arith.constant 0 : i32
      %dma_wait3A_602 = arith.constant 0 : i32
      %dma_wait3A_603 = tpu.memref_slice %arg6[%dma_wait3A_600, %dma_wait3A_601, %dma_wait3A_602] : memref<5x128x128xf32, #tpu.memory_space<vmem>> -> memref<1x128x128xf32, #tpu.memory_space<vmem>>
      %dma_wait3A_604 = tpu.memref_squeeze %dma_wait3A_603 : memref<1x128x128xf32, #tpu.memory_space<vmem>> -> memref<128x128xf32, #tpu.memory_space<vmem>>
      %dma_wait3A_605 = arith.constant 0 : i32
      %dma_wait3A_606 = tpu.memref_slice %arg4[%sub3A_599, %mul3A_2, %dma_wait3A_605] : memref<50x4096x128xf32, #tpu.memory_space<hbm>> -> memref<1x128x128xf32, #tpu.memory_space<hbm>>
      %dma_wait3A_607 = tpu.memref_squeeze %dma_wait3A_606 : memref<1x128x128xf32, #tpu.memory_space<hbm>> -> memref<128x128xf32, #tpu.memory_space<hbm>>
      %dma_wait3A_608 = arith.constant 0 : i32
      %dma_wait3A_609 = tpu.memref_slice %arg4[%sub3A_599, %mul3A_2, %dma_wait3A_608] : memref<50x4096x128xf32, #tpu.memory_space<hbm>> -> memref<1x128x128xf32, #tpu.memory_space<hbm>>
      %dma_wait3A_610 = tpu.memref_squeeze %dma_wait3A_609 : memref<1x128x128xf32, #tpu.memory_space<hbm>> -> memref<128x128xf32, #tpu.memory_space<hbm>>
      %dma_wait3A_611 = arith.constant 0 : i32
      %dma_wait3A_612 = arith.constant 0 : i32
      %dma_wait3A_613 = tpu.memref_slice %arg6[%dma_wait3A_600, %dma_wait3A_611, %dma_wait3A_612] : memref<5x128x128xf32, #tpu.memory_space<vmem>> -> memref<1x128x128xf32, #tpu.memory_space<vmem>>
      %dma_wait3A_614 = tpu.memref_squeeze %dma_wait3A_613 : memref<1x128x128xf32, #tpu.memory_space<vmem>> -> memref<128x128xf32, #tpu.memory_space<vmem>>
      tpu.wait_dma2 semaphore(%arg10 : memref<!tpu.dma_semaphore, #tpu.memory_space<semaphore_mem>>) src(%dma_wait3A_614 : memref<128x128xf32, #tpu.memory_space<vmem>>) dst(%dma_wait3A_610 : memref<128x128xf32, #tpu.memory_space<hbm>>)
      %dma_start3A_615 = arith.constant 3 : i32
      %dma_start3A_616 = arith.constant 0 : i32
      %dma_start3A_617 = arith.constant 0 : i32
      %dma_start3A_618 = tpu.memref_slice %arg6[%dma_start3A_615, %dma_start3A_616, %dma_start3A_617] : memref<5x128x128xf32, #tpu.memory_space<vmem>> -> memref<1x128x128xf32, #tpu.memory_space<vmem>>
      %dma_start3A_619 = tpu.memref_squeeze %dma_start3A_618 : memref<1x128x128xf32, #tpu.memory_space<vmem>> -> memref<128x128xf32, #tpu.memory_space<vmem>>
      %dma_start3A_620 = arith.constant 0 : i32
      %dma_start3A_621 = tpu.memref_slice %arg5[%add3A_598, %dma_start3A_620] : memref<50x128xi32, #tpu.memory_space<vmem>> -> memref<1x128xi32, #tpu.memory_space<vmem>>
      %dma_start3A_622 = tpu.memref_squeeze %dma_start3A_621 : memref<1x128xi32, #tpu.memory_space<vmem>> -> memref<128xi32, #tpu.memory_space<vmem>>
      %dma_start3A_623 = arith.constant 0 : i32
      %dma_start3A_624 = arith.constant 0 : i32
      %dma_start3A_625 = tpu.memref_slice %arg3[%dma_start3A_623, %dma_start3A_624] : memref<100000x128xf32, #tpu.memory_space<hbm>> -> memref<100000x128xf32, #tpu.memory_space<hbm>>
      tpu.enqueue_indirect_dma source(%dma_start3A_625 : memref<100000x128xf32, #tpu.memory_space<hbm>>) target(%dma_start3A_619 : memref<128x128xf32, #tpu.memory_space<vmem>>) offsets(%dma_start3A_622 : memref<128xi32, #tpu.memory_space<vmem>>) semaphore(%arg10 : memref<!tpu.dma_semaphore, #tpu.memory_space<semaphore_mem>>)
      %mul3A_626 = arith.constant 5 : i32
      %mul3A_627 = arith.muli %scan3A_566, %mul3A_626 : i32
      %add3A_628 = arith.constant 1 : i32
      %add3A_629 = arith.addi %mul3A_627, %add3A_628 : i32
      %dma_wait3A_630 = arith.constant 1 : i32
      %dma_wait3A_631 = arith.constant 0 : i32
      %dma_wait3A_632 = arith.constant 0 : i32
      %dma_wait3A_633 = tpu.memref_slice %arg6[%dma_wait3A_630, %dma_wait3A_631, %dma_wait3A_632] : memref<5x128x128xf32, #tpu.memory_space<vmem>> -> memref<1x128x128xf32, #tpu.memory_space<vmem>>
      %dma_wait3A_634 = tpu.memref_squeeze %dma_wait3A_633 : memref<1x128x128xf32, #tpu.memory_space<vmem>> -> memref<128x128xf32, #tpu.memory_space<vmem>>
      %dma_wait3A_635 = arith.constant 0 : i32
      %dma_wait3A_636 = tpu.memref_slice %arg5[%add3A_629, %dma_wait3A_635] : memref<50x128xi32, #tpu.memory_space<vmem>> -> memref<1x128xi32, #tpu.memory_space<vmem>>
      %dma_wait3A_637 = tpu.memref_squeeze %dma_wait3A_636 : memref<1x128xi32, #tpu.memory_space<vmem>> -> memref<128xi32, #tpu.memory_space<vmem>>
      %dma_wait3A_638 = arith.constant 0 : i32
      %dma_wait3A_639 = arith.constant 0 : i32
      %dma_wait3A_640 = tpu.memref_slice %arg3[%dma_wait3A_638, %dma_wait3A_639] : memref<100000x128xf32, #tpu.memory_space<hbm>> -> memref<100000x128xf32, #tpu.memory_space<hbm>>
      tpu.wait_indirect_dma semaphore(%arg8 : memref<!tpu.dma_semaphore, #tpu.memory_space<semaphore_mem>>) src(%dma_wait3A_640 : memref<100000x128xf32, #tpu.memory_space<hbm>>) dst(%dma_wait3A_634 : memref<128x128xf32, #tpu.memory_space<vmem>>)
      %dma_start3A_641 = arith.constant 1 : i32
      %dma_start3A_642 = arith.constant 0 : i32
      %dma_start3A_643 = arith.constant 0 : i32
      %dma_start3A_644 = tpu.memref_slice %arg6[%dma_start3A_641, %dma_start3A_642, %dma_start3A_643] : memref<5x128x128xf32, #tpu.memory_space<vmem>> -> memref<1x128x128xf32, #tpu.memory_space<vmem>>
      %dma_start3A_645 = tpu.memref_squeeze %dma_start3A_644 : memref<1x128x128xf32, #tpu.memory_space<vmem>> -> memref<128x128xf32, #tpu.memory_space<vmem>>
      %dma_start3A_646 = arith.constant 0 : i32
      %dma_start3A_647 = tpu.memref_slice %arg4[%add3A_629, %mul3A_2, %dma_start3A_646] : memref<50x4096x128xf32, #tpu.memory_space<hbm>> -> memref<1x128x128xf32, #tpu.memory_space<hbm>>
      %dma_start3A_648 = tpu.memref_squeeze %dma_start3A_647 : memref<1x128x128xf32, #tpu.memory_space<hbm>> -> memref<128x128xf32, #tpu.memory_space<hbm>>
      %dma_start3A_649 = arith.constant 0 : i32
      %dma_start3A_650 = tpu.memref_slice %arg4[%add3A_629, %mul3A_2, %dma_start3A_649] : memref<50x4096x128xf32, #tpu.memory_space<hbm>> -> memref<1x128x128xf32, #tpu.memory_space<hbm>>
      %dma_start3A_651 = tpu.memref_squeeze %dma_start3A_650 : memref<1x128x128xf32, #tpu.memory_space<hbm>> -> memref<128x128xf32, #tpu.memory_space<hbm>>
      %dma_start3A_652 = arith.constant 0 : i32
      %dma_start3A_653 = arith.constant 0 : i32
      %dma_start3A_654 = tpu.memref_slice %arg6[%dma_start3A_641, %dma_start3A_652, %dma_start3A_653] : memref<5x128x128xf32, #tpu.memory_space<vmem>> -> memref<1x128x128xf32, #tpu.memory_space<vmem>>
      %dma_start3A_655 = tpu.memref_squeeze %dma_start3A_654 : memref<1x128x128xf32, #tpu.memory_space<vmem>> -> memref<128x128xf32, #tpu.memory_space<vmem>>
      tpu.enqueue_dma source(%dma_start3A_655 : memref<128x128xf32, #tpu.memory_space<vmem>>) target(%dma_start3A_651 : memref<128x128xf32, #tpu.memory_space<hbm>>) target_semaphore(%arg8 : memref<!tpu.dma_semaphore, #tpu.memory_space<semaphore_mem>>)
      %add3A_656 = arith.constant 3 : i32
      %add3A_657 = arith.addi %add3A_629, %add3A_656 : i32
      %sub3A_658 = arith.constant 5 : i32
      %sub3A_659 = arith.subi %add3A_657, %sub3A_658 : i32
      %dma_wait3A_660 = arith.constant 4 : i32
      %dma_wait3A_661 = arith.constant 0 : i32
      %dma_wait3A_662 = arith.constant 0 : i32
      %dma_wait3A_663 = tpu.memref_slice %arg6[%dma_wait3A_660, %dma_wait3A_661, %dma_wait3A_662] : memref<5x128x128xf32, #tpu.memory_space<vmem>> -> memref<1x128x128xf32, #tpu.memory_space<vmem>>
      %dma_wait3A_664 = tpu.memref_squeeze %dma_wait3A_663 : memref<1x128x128xf32, #tpu.memory_space<vmem>> -> memref<128x128xf32, #tpu.memory_space<vmem>>
      %dma_wait3A_665 = arith.constant 0 : i32
      %dma_wait3A_666 = tpu.memref_slice %arg4[%sub3A_659, %mul3A_2, %dma_wait3A_665] : memref<50x4096x128xf32, #tpu.memory_space<hbm>> -> memref<1x128x128xf32, #tpu.memory_space<hbm>>
      %dma_wait3A_667 = tpu.memref_squeeze %dma_wait3A_666 : memref<1x128x128xf32, #tpu.memory_space<hbm>> -> memref<128x128xf32, #tpu.memory_space<hbm>>
      %dma_wait3A_668 = arith.constant 0 : i32
      %dma_wait3A_669 = tpu.memref_slice %arg4[%sub3A_659, %mul3A_2, %dma_wait3A_668] : memref<50x4096x128xf32, #tpu.memory_space<hbm>> -> memref<1x128x128xf32, #tpu.memory_space<hbm>>
      %dma_wait3A_670 = tpu.memref_squeeze %dma_wait3A_669 : memref<1x128x128xf32, #tpu.memory_space<hbm>> -> memref<128x128xf32, #tpu.memory_space<hbm>>
      %dma_wait3A_671 = arith.constant 0 : i32
      %dma_wait3A_672 = arith.constant 0 : i32
      %dma_wait3A_673 = tpu.memref_slice %arg6[%dma_wait3A_660, %dma_wait3A_671, %dma_wait3A_672] : memref<5x128x128xf32, #tpu.memory_space<vmem>> -> memref<1x128x128xf32, #tpu.memory_space<vmem>>
      %dma_wait3A_674 = tpu.memref_squeeze %dma_wait3A_673 : memref<1x128x128xf32, #tpu.memory_space<vmem>> -> memref<128x128xf32, #tpu.memory_space<vmem>>
      tpu.wait_dma2 semaphore(%arg11 : memref<!tpu.dma_semaphore, #tpu.memory_space<semaphore_mem>>) src(%dma_wait3A_674 : memref<128x128xf32, #tpu.memory_space<vmem>>) dst(%dma_wait3A_670 : memref<128x128xf32, #tpu.memory_space<hbm>>)
      %dma_start3A_675 = arith.constant 4 : i32
      %dma_start3A_676 = arith.constant 0 : i32
      %dma_start3A_677 = arith.constant 0 : i32
      %dma_start3A_678 = tpu.memref_slice %arg6[%dma_start3A_675, %dma_start3A_676, %dma_start3A_677] : memref<5x128x128xf32, #tpu.memory_space<vmem>> -> memref<1x128x128xf32, #tpu.memory_space<vmem>>
      %dma_start3A_679 = tpu.memref_squeeze %dma_start3A_678 : memref<1x128x128xf32, #tpu.memory_space<vmem>> -> memref<128x128xf32, #tpu.memory_space<vmem>>
      %dma_start3A_680 = arith.constant 0 : i32
      %dma_start3A_681 = tpu.memref_slice %arg5[%add3A_657, %dma_start3A_680] : memref<50x128xi32, #tpu.memory_space<vmem>> -> memref<1x128xi32, #tpu.memory_space<vmem>>
      %dma_start3A_682 = tpu.memref_squeeze %dma_start3A_681 : memref<1x128xi32, #tpu.memory_space<vmem>> -> memref<128xi32, #tpu.memory_space<vmem>>
      %dma_start3A_683 = arith.constant 0 : i32
      %dma_start3A_684 = arith.constant 0 : i32
      %dma_start3A_685 = tpu.memref_slice %arg3[%dma_start3A_683, %dma_start3A_684] : memref<100000x128xf32, #tpu.memory_space<hbm>> -> memref<100000x128xf32, #tpu.memory_space<hbm>>
      tpu.enqueue_indirect_dma source(%dma_start3A_685 : memref<100000x128xf32, #tpu.memory_space<hbm>>) target(%dma_start3A_679 : memref<128x128xf32, #tpu.memory_space<vmem>>) offsets(%dma_start3A_682 : memref<128xi32, #tpu.memory_space<vmem>>) semaphore(%arg11 : memref<!tpu.dma_semaphore, #tpu.memory_space<semaphore_mem>>)
      %mul3A_686 = arith.constant 5 : i32
      %mul3A_687 = arith.muli %scan3A_566, %mul3A_686 : i32
      %add3A_688 = arith.constant 2 : i32
      %add3A_689 = arith.addi %mul3A_687, %add3A_688 : i32
      %dma_wait3A_690 = arith.constant 2 : i32
      %dma_wait3A_691 = arith.constant 0 : i32
      %dma_wait3A_692 = arith.constant 0 : i32
      %dma_wait3A_693 = tpu.memref_slice %arg6[%dma_wait3A_690, %dma_wait3A_691, %dma_wait3A_692] : memref<5x128x128xf32, #tpu.memory_space<vmem>> -> memref<1x128x128xf32, #tpu.memory_space<vmem>>
      %dma_wait3A_694 = tpu.memref_squeeze %dma_wait3A_693 : memref<1x128x128xf32, #tpu.memory_space<vmem>> -> memref<128x128xf32, #tpu.memory_space<vmem>>
      %dma_wait3A_695 = arith.constant 0 : i32
      %dma_wait3A_696 = tpu.memref_slice %arg5[%add3A_689, %dma_wait3A_695] : memref<50x128xi32, #tpu.memory_space<vmem>> -> memref<1x128xi32, #tpu.memory_space<vmem>>
      %dma_wait3A_697 = tpu.memref_squeeze %dma_wait3A_696 : memref<1x128xi32, #tpu.memory_space<vmem>> -> memref<128xi32, #tpu.memory_space<vmem>>
      %dma_wait3A_698 = arith.constant 0 : i32
      %dma_wait3A_699 = arith.constant 0 : i32
      %dma_wait3A_700 = tpu.memref_slice %arg3[%dma_wait3A_698, %dma_wait3A_699] : memref<100000x128xf32, #tpu.memory_space<hbm>> -> memref<100000x128xf32, #tpu.memory_space<hbm>>
      tpu.wait_indirect_dma semaphore(%arg9 : memref<!tpu.dma_semaphore, #tpu.memory_space<semaphore_mem>>) src(%dma_wait3A_700 : memref<100000x128xf32, #tpu.memory_space<hbm>>) dst(%dma_wait3A_694 : memref<128x128xf32, #tpu.memory_space<vmem>>)
      %dma_start3A_701 = arith.constant 2 : i32
      %dma_start3A_702 = arith.constant 0 : i32
      %dma_start3A_703 = arith.constant 0 : i32
      %dma_start3A_704 = tpu.memref_slice %arg6[%dma_start3A_701, %dma_start3A_702, %dma_start3A_703] : memref<5x128x128xf32, #tpu.memory_space<vmem>> -> memref<1x128x128xf32, #tpu.memory_space<vmem>>
      %dma_start3A_705 = tpu.memref_squeeze %dma_start3A_704 : memref<1x128x128xf32, #tpu.memory_space<vmem>> -> memref<128x128xf32, #tpu.memory_space<vmem>>
      %dma_start3A_706 = arith.constant 0 : i32
      %dma_start3A_707 = tpu.memref_slice %arg4[%add3A_689, %mul3A_2, %dma_start3A_706] : memref<50x4096x128xf32, #tpu.memory_space<hbm>> -> memref<1x128x128xf32, #tpu.memory_space<hbm>>
      %dma_start3A_708 = tpu.memref_squeeze %dma_start3A_707 : memref<1x128x128xf32, #tpu.memory_space<hbm>> -> memref<128x128xf32, #tpu.memory_space<hbm>>
      %dma_start3A_709 = arith.constant 0 : i32
      %dma_start3A_710 = tpu.memref_slice %arg4[%add3A_689, %mul3A_2, %dma_start3A_709] : memref<50x4096x128xf32, #tpu.memory_space<hbm>> -> memref<1x128x128xf32, #tpu.memory_space<hbm>>
      %dma_start3A_711 = tpu.memref_squeeze %dma_start3A_710 : memref<1x128x128xf32, #tpu.memory_space<hbm>> -> memref<128x128xf32, #tpu.memory_space<hbm>>
      %dma_start3A_712 = arith.constant 0 : i32
      %dma_start3A_713 = arith.constant 0 : i32
      %dma_start3A_714 = tpu.memref_slice %arg6[%dma_start3A_701, %dma_start3A_712, %dma_start3A_713] : memref<5x128x128xf32, #tpu.memory_space<vmem>> -> memref<1x128x128xf32, #tpu.memory_space<vmem>>
      %dma_start3A_715 = tpu.memref_squeeze %dma_start3A_714 : memref<1x128x128xf32, #tpu.memory_space<vmem>> -> memref<128x128xf32, #tpu.memory_space<vmem>>
      tpu.enqueue_dma source(%dma_start3A_715 : memref<128x128xf32, #tpu.memory_space<vmem>>) target(%dma_start3A_711 : memref<128x128xf32, #tpu.memory_space<hbm>>) target_semaphore(%arg9 : memref<!tpu.dma_semaphore, #tpu.memory_space<semaphore_mem>>)
      %add3A_716 = arith.constant 3 : i32
      %add3A_717 = arith.addi %add3A_689, %add3A_716 : i32
      %sub3A_718 = arith.constant 5 : i32
      %sub3A_719 = arith.subi %add3A_717, %sub3A_718 : i32
      %dma_wait3A_720 = arith.constant 0 : i32
      %dma_wait3A_721 = arith.constant 0 : i32
      %dma_wait3A_722 = arith.constant 0 : i32
      %dma_wait3A_723 = tpu.memref_slice %arg6[%dma_wait3A_720, %dma_wait3A_721, %dma_wait3A_722] : memref<5x128x128xf32, #tpu.memory_space<vmem>> -> memref<1x128x128xf32, #tpu.memory_space<vmem>>
      %dma_wait3A_724 = tpu.memref_squeeze %dma_wait3A_723 : memref<1x128x128xf32, #tpu.memory_space<vmem>> -> memref<128x128xf32, #tpu.memory_space<vmem>>
      %dma_wait3A_725 = arith.constant 0 : i32
      %dma_wait3A_726 = tpu.memref_slice %arg4[%sub3A_719, %mul3A_2, %dma_wait3A_725] : memref<50x4096x128xf32, #tpu.memory_space<hbm>> -> memref<1x128x128xf32, #tpu.memory_space<hbm>>
      %dma_wait3A_727 = tpu.memref_squeeze %dma_wait3A_726 : memref<1x128x128xf32, #tpu.memory_space<hbm>> -> memref<128x128xf32, #tpu.memory_space<hbm>>
      %dma_wait3A_728 = arith.constant 0 : i32
      %dma_wait3A_729 = tpu.memref_slice %arg4[%sub3A_719, %mul3A_2, %dma_wait3A_728] : memref<50x4096x128xf32, #tpu.memory_space<hbm>> -> memref<1x128x128xf32, #tpu.memory_space<hbm>>
      %dma_wait3A_730 = tpu.memref_squeeze %dma_wait3A_729 : memref<1x128x128xf32, #tpu.memory_space<hbm>> -> memref<128x128xf32, #tpu.memory_space<hbm>>
      %dma_wait3A_731 = arith.constant 0 : i32
      %dma_wait3A_732 = arith.constant 0 : i32
      %dma_wait3A_733 = tpu.memref_slice %arg6[%dma_wait3A_720, %dma_wait3A_731, %dma_wait3A_732] : memref<5x128x128xf32, #tpu.memory_space<vmem>> -> memref<1x128x128xf32, #tpu.memory_space<vmem>>
      %dma_wait3A_734 = tpu.memref_squeeze %dma_wait3A_733 : memref<1x128x128xf32, #tpu.memory_space<vmem>> -> memref<128x128xf32, #tpu.memory_space<vmem>>
      tpu.wait_dma2 semaphore(%arg7 : memref<!tpu.dma_semaphore, #tpu.memory_space<semaphore_mem>>) src(%dma_wait3A_734 : memref<128x128xf32, #tpu.memory_space<vmem>>) dst(%dma_wait3A_730 : memref<128x128xf32, #tpu.memory_space<hbm>>)
      %dma_start3A_735 = arith.constant 0 : i32
      %dma_start3A_736 = arith.constant 0 : i32
      %dma_start3A_737 = arith.constant 0 : i32
      %dma_start3A_738 = tpu.memref_slice %arg6[%dma_start3A_735, %dma_start3A_736, %dma_start3A_737] : memref<5x128x128xf32, #tpu.memory_space<vmem>> -> memref<1x128x128xf32, #tpu.memory_space<vmem>>
      %dma_start3A_739 = tpu.memref_squeeze %dma_start3A_738 : memref<1x128x128xf32, #tpu.memory_space<vmem>> -> memref<128x128xf32, #tpu.memory_space<vmem>>
      %dma_start3A_740 = arith.constant 0 : i32
      %dma_start3A_741 = tpu.memref_slice %arg5[%add3A_717, %dma_start3A_740] : memref<50x128xi32, #tpu.memory_space<vmem>> -> memref<1x128xi32, #tpu.memory_space<vmem>>
      %dma_start3A_742 = tpu.memref_squeeze %dma_start3A_741 : memref<1x128xi32, #tpu.memory_space<vmem>> -> memref<128xi32, #tpu.memory_space<vmem>>
      %dma_start3A_743 = arith.constant 0 : i32
      %dma_start3A_744 = arith.constant 0 : i32
      %dma_start3A_745 = tpu.memref_slice %arg3[%dma_start3A_743, %dma_start3A_744] : memref<100000x128xf32, #tpu.memory_space<hbm>> -> memref<100000x128xf32, #tpu.memory_space<hbm>>
      tpu.enqueue_indirect_dma source(%dma_start3A_745 : memref<100000x128xf32, #tpu.memory_space<hbm>>) target(%dma_start3A_739 : memref<128x128xf32, #tpu.memory_space<vmem>>) offsets(%dma_start3A_742 : memref<128xi32, #tpu.memory_space<vmem>>) semaphore(%arg7 : memref<!tpu.dma_semaphore, #tpu.memory_space<semaphore_mem>>)
      %mul3A_746 = arith.constant 5 : i32
      %mul3A_747 = arith.muli %scan3A_566, %mul3A_746 : i32
      %add3A_748 = arith.constant 3 : i32
      %add3A_749 = arith.addi %mul3A_747, %add3A_748 : i32
      %dma_wait3A_750 = arith.constant 3 : i32
      %dma_wait3A_751 = arith.constant 0 : i32
      %dma_wait3A_752 = arith.constant 0 : i32
      %dma_wait3A_753 = tpu.memref_slice %arg6[%dma_wait3A_750, %dma_wait3A_751, %dma_wait3A_752] : memref<5x128x128xf32, #tpu.memory_space<vmem>> -> memref<1x128x128xf32, #tpu.memory_space<vmem>>
      %dma_wait3A_754 = tpu.memref_squeeze %dma_wait3A_753 : memref<1x128x128xf32, #tpu.memory_space<vmem>> -> memref<128x128xf32, #tpu.memory_space<vmem>>
      %dma_wait3A_755 = arith.constant 0 : i32
      %dma_wait3A_756 = tpu.memref_slice %arg5[%add3A_749, %dma_wait3A_755] : memref<50x128xi32, #tpu.memory_space<vmem>> -> memref<1x128xi32, #tpu.memory_space<vmem>>
      %dma_wait3A_757 = tpu.memref_squeeze %dma_wait3A_756 : memref<1x128xi32, #tpu.memory_space<vmem>> -> memref<128xi32, #tpu.memory_space<vmem>>
      %dma_wait3A_758 = arith.constant 0 : i32
      %dma_wait3A_759 = arith.constant 0 : i32
      %dma_wait3A_760 = tpu.memref_slice %arg3[%dma_wait3A_758, %dma_wait3A_759] : memref<100000x128xf32, #tpu.memory_space<hbm>> -> memref<100000x128xf32, #tpu.memory_space<hbm>>
      tpu.wait_indirect_dma semaphore(%arg10 : memref<!tpu.dma_semaphore, #tpu.memory_space<semaphore_mem>>) src(%dma_wait3A_760 : memref<100000x128xf32, #tpu.memory_space<hbm>>) dst(%dma_wait3A_754 : memref<128x128xf32, #tpu.memory_space<vmem>>)
      %dma_start3A_761 = arith.constant 3 : i32
      %dma_start3A_762 = arith.constant 0 : i32
      %dma_start3A_763 = arith.constant 0 : i32
      %dma_start3A_764 = tpu.memref_slice %arg6[%dma_start3A_761, %dma_start3A_762, %dma_start3A_763] : memref<5x128x128xf32, #tpu.memory_space<vmem>> -> memref<1x128x128xf32, #tpu.memory_space<vmem>>
      %dma_start3A_765 = tpu.memref_squeeze %dma_start3A_764 : memref<1x128x128xf32, #tpu.memory_space<vmem>> -> memref<128x128xf32, #tpu.memory_space<vmem>>
      %dma_start3A_766 = arith.constant 0 : i32
      %dma_start3A_767 = tpu.memref_slice %arg4[%add3A_749, %mul3A_2, %dma_start3A_766] : memref<50x4096x128xf32, #tpu.memory_space<hbm>> -> memref<1x128x128xf32, #tpu.memory_space<hbm>>
      %dma_start3A_768 = tpu.memref_squeeze %dma_start3A_767 : memref<1x128x128xf32, #tpu.memory_space<hbm>> -> memref<128x128xf32, #tpu.memory_space<hbm>>
      %dma_start3A_769 = arith.constant 0 : i32
      %dma_start3A_770 = tpu.memref_slice %arg4[%add3A_749, %mul3A_2, %dma_start3A_769] : memref<50x4096x128xf32, #tpu.memory_space<hbm>> -> memref<1x128x128xf32, #tpu.memory_space<hbm>>
      %dma_start3A_771 = tpu.memref_squeeze %dma_start3A_770 : memref<1x128x128xf32, #tpu.memory_space<hbm>> -> memref<128x128xf32, #tpu.memory_space<hbm>>
      %dma_start3A_772 = arith.constant 0 : i32
      %dma_start3A_773 = arith.constant 0 : i32
      %dma_start3A_774 = tpu.memref_slice %arg6[%dma_start3A_761, %dma_start3A_772, %dma_start3A_773] : memref<5x128x128xf32, #tpu.memory_space<vmem>> -> memref<1x128x128xf32, #tpu.memory_space<vmem>>
      %dma_start3A_775 = tpu.memref_squeeze %dma_start3A_774 : memref<1x128x128xf32, #tpu.memory_space<vmem>> -> memref<128x128xf32, #tpu.memory_space<vmem>>
      tpu.enqueue_dma source(%dma_start3A_775 : memref<128x128xf32, #tpu.memory_space<vmem>>) target(%dma_start3A_771 : memref<128x128xf32, #tpu.memory_space<hbm>>) target_semaphore(%arg10 : memref<!tpu.dma_semaphore, #tpu.memory_space<semaphore_mem>>)
      %add3A_776 = arith.constant 3 : i32
      %add3A_777 = arith.addi %add3A_749, %add3A_776 : i32
      %sub3A_778 = arith.constant 5 : i32
      %sub3A_779 = arith.subi %add3A_777, %sub3A_778 : i32
      %dma_wait3A_780 = arith.constant 1 : i32
      %dma_wait3A_781 = arith.constant 0 : i32
      %dma_wait3A_782 = arith.constant 0 : i32
      %dma_wait3A_783 = tpu.memref_slice %arg6[%dma_wait3A_780, %dma_wait3A_781, %dma_wait3A_782] : memref<5x128x128xf32, #tpu.memory_space<vmem>> -> memref<1x128x128xf32, #tpu.memory_space<vmem>>
      %dma_wait3A_784 = tpu.memref_squeeze %dma_wait3A_783 : memref<1x128x128xf32, #tpu.memory_space<vmem>> -> memref<128x128xf32, #tpu.memory_space<vmem>>
      %dma_wait3A_785 = arith.constant 0 : i32
      %dma_wait3A_786 = tpu.memref_slice %arg4[%sub3A_779, %mul3A_2, %dma_wait3A_785] : memref<50x4096x128xf32, #tpu.memory_space<hbm>> -> memref<1x128x128xf32, #tpu.memory_space<hbm>>
      %dma_wait3A_787 = tpu.memref_squeeze %dma_wait3A_786 : memref<1x128x128xf32, #tpu.memory_space<hbm>> -> memref<128x128xf32, #tpu.memory_space<hbm>>
      %dma_wait3A_788 = arith.constant 0 : i32
      %dma_wait3A_789 = tpu.memref_slice %arg4[%sub3A_779, %mul3A_2, %dma_wait3A_788] : memref<50x4096x128xf32, #tpu.memory_space<hbm>> -> memref<1x128x128xf32, #tpu.memory_space<hbm>>
      %dma_wait3A_790 = tpu.memref_squeeze %dma_wait3A_789 : memref<1x128x128xf32, #tpu.memory_space<hbm>> -> memref<128x128xf32, #tpu.memory_space<hbm>>
      %dma_wait3A_791 = arith.constant 0 : i32
      %dma_wait3A_792 = arith.constant 0 : i32
      %dma_wait3A_793 = tpu.memref_slice %arg6[%dma_wait3A_780, %dma_wait3A_791, %dma_wait3A_792] : memref<5x128x128xf32, #tpu.memory_space<vmem>> -> memref<1x128x128xf32, #tpu.memory_space<vmem>>
      %dma_wait3A_794 = tpu.memref_squeeze %dma_wait3A_793 : memref<1x128x128xf32, #tpu.memory_space<vmem>> -> memref<128x128xf32, #tpu.memory_space<vmem>>
      tpu.wait_dma2 semaphore(%arg8 : memref<!tpu.dma_semaphore, #tpu.memory_space<semaphore_mem>>) src(%dma_wait3A_794 : memref<128x128xf32, #tpu.memory_space<vmem>>) dst(%dma_wait3A_790 : memref<128x128xf32, #tpu.memory_space<hbm>>)
      %dma_start3A_795 = arith.constant 1 : i32
      %dma_start3A_796 = arith.constant 0 : i32
      %dma_start3A_797 = arith.constant 0 : i32
      %dma_start3A_798 = tpu.memref_slice %arg6[%dma_start3A_795, %dma_start3A_796, %dma_start3A_797] : memref<5x128x128xf32, #tpu.memory_space<vmem>> -> memref<1x128x128xf32, #tpu.memory_space<vmem>>
      %dma_start3A_799 = tpu.memref_squeeze %dma_start3A_798 : memref<1x128x128xf32, #tpu.memory_space<vmem>> -> memref<128x128xf32, #tpu.memory_space<vmem>>
      %dma_start3A_800 = arith.constant 0 : i32
      %dma_start3A_801 = tpu.memref_slice %arg5[%add3A_777, %dma_start3A_800] : memref<50x128xi32, #tpu.memory_space<vmem>> -> memref<1x128xi32, #tpu.memory_space<vmem>>
      %dma_start3A_802 = tpu.memref_squeeze %dma_start3A_801 : memref<1x128xi32, #tpu.memory_space<vmem>> -> memref<128xi32, #tpu.memory_space<vmem>>
      %dma_start3A_803 = arith.constant 0 : i32
      %dma_start3A_804 = arith.constant 0 : i32
      %dma_start3A_805 = tpu.memref_slice %arg3[%dma_start3A_803, %dma_start3A_804] : memref<100000x128xf32, #tpu.memory_space<hbm>> -> memref<100000x128xf32, #tpu.memory_space<hbm>>
      tpu.enqueue_indirect_dma source(%dma_start3A_805 : memref<100000x128xf32, #tpu.memory_space<hbm>>) target(%dma_start3A_799 : memref<128x128xf32, #tpu.memory_space<vmem>>) offsets(%dma_start3A_802 : memref<128xi32, #tpu.memory_space<vmem>>) semaphore(%arg8 : memref<!tpu.dma_semaphore, #tpu.memory_space<semaphore_mem>>)
      %mul3A_806 = arith.constant 5 : i32
      %mul3A_807 = arith.muli %scan3A_566, %mul3A_806 : i32
      %add3A_808 = arith.constant 4 : i32
      %add3A_809 = arith.addi %mul3A_807, %add3A_808 : i32
      %dma_wait3A_810 = arith.constant 4 : i32
      %dma_wait3A_811 = arith.constant 0 : i32
      %dma_wait3A_812 = arith.constant 0 : i32
      %dma_wait3A_813 = tpu.memref_slice %arg6[%dma_wait3A_810, %dma_wait3A_811, %dma_wait3A_812] : memref<5x128x128xf32, #tpu.memory_space<vmem>> -> memref<1x128x128xf32, #tpu.memory_space<vmem>>
      %dma_wait3A_814 = tpu.memref_squeeze %dma_wait3A_813 : memref<1x128x128xf32, #tpu.memory_space<vmem>> -> memref<128x128xf32, #tpu.memory_space<vmem>>
      %dma_wait3A_815 = arith.constant 0 : i32
      %dma_wait3A_816 = tpu.memref_slice %arg5[%add3A_809, %dma_wait3A_815] : memref<50x128xi32, #tpu.memory_space<vmem>> -> memref<1x128xi32, #tpu.memory_space<vmem>>
      %dma_wait3A_817 = tpu.memref_squeeze %dma_wait3A_816 : memref<1x128xi32, #tpu.memory_space<vmem>> -> memref<128xi32, #tpu.memory_space<vmem>>
      %dma_wait3A_818 = arith.constant 0 : i32
      %dma_wait3A_819 = arith.constant 0 : i32
      %dma_wait3A_820 = tpu.memref_slice %arg3[%dma_wait3A_818, %dma_wait3A_819] : memref<100000x128xf32, #tpu.memory_space<hbm>> -> memref<100000x128xf32, #tpu.memory_space<hbm>>
      tpu.wait_indirect_dma semaphore(%arg11 : memref<!tpu.dma_semaphore, #tpu.memory_space<semaphore_mem>>) src(%dma_wait3A_820 : memref<100000x128xf32, #tpu.memory_space<hbm>>) dst(%dma_wait3A_814 : memref<128x128xf32, #tpu.memory_space<vmem>>)
      %dma_start3A_821 = arith.constant 4 : i32
      %dma_start3A_822 = arith.constant 0 : i32
      %dma_start3A_823 = arith.constant 0 : i32
      %dma_start3A_824 = tpu.memref_slice %arg6[%dma_start3A_821, %dma_start3A_822, %dma_start3A_823] : memref<5x128x128xf32, #tpu.memory_space<vmem>> -> memref<1x128x128xf32, #tpu.memory_space<vmem>>
      %dma_start3A_825 = tpu.memref_squeeze %dma_start3A_824 : memref<1x128x128xf32, #tpu.memory_space<vmem>> -> memref<128x128xf32, #tpu.memory_space<vmem>>
      %dma_start3A_826 = arith.constant 0 : i32
      %dma_start3A_827 = tpu.memref_slice %arg4[%add3A_809, %mul3A_2, %dma_start3A_826] : memref<50x4096x128xf32, #tpu.memory_space<hbm>> -> memref<1x128x128xf32, #tpu.memory_space<hbm>>
      %dma_start3A_828 = tpu.memref_squeeze %dma_start3A_827 : memref<1x128x128xf32, #tpu.memory_space<hbm>> -> memref<128x128xf32, #tpu.memory_space<hbm>>
      %dma_start3A_829 = arith.constant 0 : i32
      %dma_start3A_830 = tpu.memref_slice %arg4[%add3A_809, %mul3A_2, %dma_start3A_829] : memref<50x4096x128xf32, #tpu.memory_space<hbm>> -> memref<1x128x128xf32, #tpu.memory_space<hbm>>
      %dma_start3A_831 = tpu.memref_squeeze %dma_start3A_830 : memref<1x128x128xf32, #tpu.memory_space<hbm>> -> memref<128x128xf32, #tpu.memory_space<hbm>>
      %dma_start3A_832 = arith.constant 0 : i32
      %dma_start3A_833 = arith.constant 0 : i32
      %dma_start3A_834 = tpu.memref_slice %arg6[%dma_start3A_821, %dma_start3A_832, %dma_start3A_833] : memref<5x128x128xf32, #tpu.memory_space<vmem>> -> memref<1x128x128xf32, #tpu.memory_space<vmem>>
      %dma_start3A_835 = tpu.memref_squeeze %dma_start3A_834 : memref<1x128x128xf32, #tpu.memory_space<vmem>> -> memref<128x128xf32, #tpu.memory_space<vmem>>
      tpu.enqueue_dma source(%dma_start3A_835 : memref<128x128xf32, #tpu.memory_space<vmem>>) target(%dma_start3A_831 : memref<128x128xf32, #tpu.memory_space<hbm>>) target_semaphore(%arg11 : memref<!tpu.dma_semaphore, #tpu.memory_space<semaphore_mem>>)
      %add3A_836 = arith.constant 3 : i32
      %add3A_837 = arith.addi %add3A_809, %add3A_836 : i32
      %sub3A_838 = arith.constant 5 : i32
      %sub3A_839 = arith.subi %add3A_837, %sub3A_838 : i32
      %dma_wait3A_840 = arith.constant 2 : i32
      %dma_wait3A_841 = arith.constant 0 : i32
      %dma_wait3A_842 = arith.constant 0 : i32
      %dma_wait3A_843 = tpu.memref_slice %arg6[%dma_wait3A_840, %dma_wait3A_841, %dma_wait3A_842] : memref<5x128x128xf32, #tpu.memory_space<vmem>> -> memref<1x128x128xf32, #tpu.memory_space<vmem>>
      %dma_wait3A_844 = tpu.memref_squeeze %dma_wait3A_843 : memref<1x128x128xf32, #tpu.memory_space<vmem>> -> memref<128x128xf32, #tpu.memory_space<vmem>>
      %dma_wait3A_845 = arith.constant 0 : i32
      %dma_wait3A_846 = tpu.memref_slice %arg4[%sub3A_839, %mul3A_2, %dma_wait3A_845] : memref<50x4096x128xf32, #tpu.memory_space<hbm>> -> memref<1x128x128xf32, #tpu.memory_space<hbm>>
      %dma_wait3A_847 = tpu.memref_squeeze %dma_wait3A_846 : memref<1x128x128xf32, #tpu.memory_space<hbm>> -> memref<128x128xf32, #tpu.memory_space<hbm>>
      %dma_wait3A_848 = arith.constant 0 : i32
      %dma_wait3A_849 = tpu.memref_slice %arg4[%sub3A_839, %mul3A_2, %dma_wait3A_848] : memref<50x4096x128xf32, #tpu.memory_space<hbm>> -> memref<1x128x128xf32, #tpu.memory_space<hbm>>
      %dma_wait3A_850 = tpu.memref_squeeze %dma_wait3A_849 : memref<1x128x128xf32, #tpu.memory_space<hbm>> -> memref<128x128xf32, #tpu.memory_space<hbm>>
      %dma_wait3A_851 = arith.constant 0 : i32
      %dma_wait3A_852 = arith.constant 0 : i32
      %dma_wait3A_853 = tpu.memref_slice %arg6[%dma_wait3A_840, %dma_wait3A_851, %dma_wait3A_852] : memref<5x128x128xf32, #tpu.memory_space<vmem>> -> memref<1x128x128xf32, #tpu.memory_space<vmem>>
      %dma_wait3A_854 = tpu.memref_squeeze %dma_wait3A_853 : memref<1x128x128xf32, #tpu.memory_space<vmem>> -> memref<128x128xf32, #tpu.memory_space<vmem>>
      tpu.wait_dma2 semaphore(%arg9 : memref<!tpu.dma_semaphore, #tpu.memory_space<semaphore_mem>>) src(%dma_wait3A_854 : memref<128x128xf32, #tpu.memory_space<vmem>>) dst(%dma_wait3A_850 : memref<128x128xf32, #tpu.memory_space<hbm>>)
      %dma_start3A_855 = arith.constant 2 : i32
      %dma_start3A_856 = arith.constant 0 : i32
      %dma_start3A_857 = arith.constant 0 : i32
      %dma_start3A_858 = tpu.memref_slice %arg6[%dma_start3A_855, %dma_start3A_856, %dma_start3A_857] : memref<5x128x128xf32, #tpu.memory_space<vmem>> -> memref<1x128x128xf32, #tpu.memory_space<vmem>>
      %dma_start3A_859 = tpu.memref_squeeze %dma_start3A_858 : memref<1x128x128xf32, #tpu.memory_space<vmem>> -> memref<128x128xf32, #tpu.memory_space<vmem>>
      %dma_start3A_860 = arith.constant 0 : i32
      %dma_start3A_861 = tpu.memref_slice %arg5[%add3A_837, %dma_start3A_860] : memref<50x128xi32, #tpu.memory_space<vmem>> -> memref<1x128xi32, #tpu.memory_space<vmem>>
      %dma_start3A_862 = tpu.memref_squeeze %dma_start3A_861 : memref<1x128xi32, #tpu.memory_space<vmem>> -> memref<128xi32, #tpu.memory_space<vmem>>
      %dma_start3A_863 = arith.constant 0 : i32
      %dma_start3A_864 = arith.constant 0 : i32
      %dma_start3A_865 = tpu.memref_slice %arg3[%dma_start3A_863, %dma_start3A_864] : memref<100000x128xf32, #tpu.memory_space<hbm>> -> memref<100000x128xf32, #tpu.memory_space<hbm>>
      tpu.enqueue_indirect_dma source(%dma_start3A_865 : memref<100000x128xf32, #tpu.memory_space<hbm>>) target(%dma_start3A_859 : memref<128x128xf32, #tpu.memory_space<vmem>>) offsets(%dma_start3A_862 : memref<128xi32, #tpu.memory_space<vmem>>) semaphore(%arg9 : memref<!tpu.dma_semaphore, #tpu.memory_space<semaphore_mem>>)
    }
    %scan3A_289 = arith.constant 8 : i32
    %dma_wait3A_290 = arith.constant 45 : i32
    %dma_wait3A_291 = arith.constant 0 : i32
    %dma_wait3A_292 = arith.constant 0 : i32
    %dma_wait3A_293 = arith.constant 0 : i32
    %dma_wait3A_294 = tpu.memref_slice %arg6[%dma_wait3A_291, %dma_wait3A_292, %dma_wait3A_293] : memref<5x128x128xf32, #tpu.memory_space<vmem>> -> memref<1x128x128xf32, #tpu.memory_space<vmem>>
    %dma_wait3A_295 = tpu.memref_squeeze %dma_wait3A_294 : memref<1x128x128xf32, #tpu.memory_space<vmem>> -> memref<128x128xf32, #tpu.memory_space<vmem>>
    %dma_wait3A_296 = arith.constant 0 : i32
    %dma_wait3A_297 = tpu.memref_slice %arg5[%dma_wait3A_290, %dma_wait3A_296] : memref<50x128xi32, #tpu.memory_space<vmem>> -> memref<1x128xi32, #tpu.memory_space<vmem>>
    %dma_wait3A_298 = tpu.memref_squeeze %dma_wait3A_297 : memref<1x128xi32, #tpu.memory_space<vmem>> -> memref<128xi32, #tpu.memory_space<vmem>>
    %dma_wait3A_299 = arith.constant 0 : i32
    %dma_wait3A_300 = arith.constant 0 : i32
    %dma_wait3A_301 = tpu.memref_slice %arg3[%dma_wait3A_299, %dma_wait3A_300] : memref<100000x128xf32, #tpu.memory_space<hbm>> -> memref<100000x128xf32, #tpu.memory_space<hbm>>
    tpu.wait_indirect_dma semaphore(%arg7 : memref<!tpu.dma_semaphore, #tpu.memory_space<semaphore_mem>>) src(%dma_wait3A_301 : memref<100000x128xf32, #tpu.memory_space<hbm>>) dst(%dma_wait3A_295 : memref<128x128xf32, #tpu.memory_space<vmem>>)
    %dma_start3A_302 = arith.constant 0 : i32
    %dma_start3A_303 = arith.constant 45 : i32
    %dma_start3A_304 = arith.constant 0 : i32
    %dma_start3A_305 = arith.constant 0 : i32
    %dma_start3A_306 = tpu.memref_slice %arg6[%dma_start3A_302, %dma_start3A_304, %dma_start3A_305] : memref<5x128x128xf32, #tpu.memory_space<vmem>> -> memref<1x128x128xf32, #tpu.memory_space<vmem>>
    %dma_start3A_307 = tpu.memref_squeeze %dma_start3A_306 : memref<1x128x128xf32, #tpu.memory_space<vmem>> -> memref<128x128xf32, #tpu.memory_space<vmem>>
    %dma_start3A_308 = arith.constant 0 : i32
    %dma_start3A_309 = tpu.memref_slice %arg4[%dma_start3A_303, %mul3A_2, %dma_start3A_308] : memref<50x4096x128xf32, #tpu.memory_space<hbm>> -> memref<1x128x128xf32, #tpu.memory_space<hbm>>
    %dma_start3A_310 = tpu.memref_squeeze %dma_start3A_309 : memref<1x128x128xf32, #tpu.memory_space<hbm>> -> memref<128x128xf32, #tpu.memory_space<hbm>>
    %dma_start3A_311 = arith.constant 0 : i32
    %dma_start3A_312 = tpu.memref_slice %arg4[%dma_start3A_303, %mul3A_2, %dma_start3A_311] : memref<50x4096x128xf32, #tpu.memory_space<hbm>> -> memref<1x128x128xf32, #tpu.memory_space<hbm>>
    %dma_start3A_313 = tpu.memref_squeeze %dma_start3A_312 : memref<1x128x128xf32, #tpu.memory_space<hbm>> -> memref<128x128xf32, #tpu.memory_space<hbm>>
    %dma_start3A_314 = arith.constant 0 : i32
    %dma_start3A_315 = arith.constant 0 : i32
    %dma_start3A_316 = tpu.memref_slice %arg6[%dma_start3A_302, %dma_start3A_314, %dma_start3A_315] : memref<5x128x128xf32, #tpu.memory_space<vmem>> -> memref<1x128x128xf32, #tpu.memory_space<vmem>>
    %dma_start3A_317 = tpu.memref_squeeze %dma_start3A_316 : memref<1x128x128xf32, #tpu.memory_space<vmem>> -> memref<128x128xf32, #tpu.memory_space<vmem>>
    tpu.enqueue_dma source(%dma_start3A_317 : memref<128x128xf32, #tpu.memory_space<vmem>>) target(%dma_start3A_313 : memref<128x128xf32, #tpu.memory_space<hbm>>) target_semaphore(%arg7 : memref<!tpu.dma_semaphore, #tpu.memory_space<semaphore_mem>>)
    %dma_wait3A_318 = arith.constant 3 : i32
    %dma_wait3A_319 = arith.constant 43 : i32
    %dma_wait3A_320 = arith.constant 0 : i32
    %dma_wait3A_321 = arith.constant 0 : i32
    %dma_wait3A_322 = tpu.memref_slice %arg6[%dma_wait3A_318, %dma_wait3A_320, %dma_wait3A_321] : memref<5x128x128xf32, #tpu.memory_space<vmem>> -> memref<1x128x128xf32, #tpu.memory_space<vmem>>
    %dma_wait3A_323 = tpu.memref_squeeze %dma_wait3A_322 : memref<1x128x128xf32, #tpu.memory_space<vmem>> -> memref<128x128xf32, #tpu.memory_space<vmem>>
    %dma_wait3A_324 = arith.constant 0 : i32
    %dma_wait3A_325 = tpu.memref_slice %arg4[%dma_wait3A_319, %mul3A_2, %dma_wait3A_324] : memref<50x4096x128xf32, #tpu.memory_space<hbm>> -> memref<1x128x128xf32, #tpu.memory_space<hbm>>
    %dma_wait3A_326 = tpu.memref_squeeze %dma_wait3A_325 : memref<1x128x128xf32, #tpu.memory_space<hbm>> -> memref<128x128xf32, #tpu.memory_space<hbm>>
    %dma_wait3A_327 = arith.constant 0 : i32
    %dma_wait3A_328 = tpu.memref_slice %arg4[%dma_wait3A_319, %mul3A_2, %dma_wait3A_327] : memref<50x4096x128xf32, #tpu.memory_space<hbm>> -> memref<1x128x128xf32, #tpu.memory_space<hbm>>
    %dma_wait3A_329 = tpu.memref_squeeze %dma_wait3A_328 : memref<1x128x128xf32, #tpu.memory_space<hbm>> -> memref<128x128xf32, #tpu.memory_space<hbm>>
    %dma_wait3A_330 = arith.constant 0 : i32
    %dma_wait3A_331 = arith.constant 0 : i32
    %dma_wait3A_332 = tpu.memref_slice %arg6[%dma_wait3A_318, %dma_wait3A_330, %dma_wait3A_331] : memref<5x128x128xf32, #tpu.memory_space<vmem>> -> memref<1x128x128xf32, #tpu.memory_space<vmem>>
    %dma_wait3A_333 = tpu.memref_squeeze %dma_wait3A_332 : memref<1x128x128xf32, #tpu.memory_space<vmem>> -> memref<128x128xf32, #tpu.memory_space<vmem>>
    tpu.wait_dma2 semaphore(%arg10 : memref<!tpu.dma_semaphore, #tpu.memory_space<semaphore_mem>>) src(%dma_wait3A_333 : memref<128x128xf32, #tpu.memory_space<vmem>>) dst(%dma_wait3A_329 : memref<128x128xf32, #tpu.memory_space<hbm>>)
    %dma_start3A_334 = arith.constant 48 : i32
    %dma_start3A_335 = arith.constant 3 : i32
    %dma_start3A_336 = arith.constant 0 : i32
    %dma_start3A_337 = arith.constant 0 : i32
    %dma_start3A_338 = tpu.memref_slice %arg6[%dma_start3A_335, %dma_start3A_336, %dma_start3A_337] : memref<5x128x128xf32, #tpu.memory_space<vmem>> -> memref<1x128x128xf32, #tpu.memory_space<vmem>>
    %dma_start3A_339 = tpu.memref_squeeze %dma_start3A_338 : memref<1x128x128xf32, #tpu.memory_space<vmem>> -> memref<128x128xf32, #tpu.memory_space<vmem>>
    %dma_start3A_340 = arith.constant 0 : i32
    %dma_start3A_341 = tpu.memref_slice %arg5[%dma_start3A_334, %dma_start3A_340] : memref<50x128xi32, #tpu.memory_space<vmem>> -> memref<1x128xi32, #tpu.memory_space<vmem>>
    %dma_start3A_342 = tpu.memref_squeeze %dma_start3A_341 : memref<1x128xi32, #tpu.memory_space<vmem>> -> memref<128xi32, #tpu.memory_space<vmem>>
    %dma_start3A_343 = arith.constant 0 : i32
    %dma_start3A_344 = arith.constant 0 : i32
    %dma_start3A_345 = tpu.memref_slice %arg3[%dma_start3A_343, %dma_start3A_344] : memref<100000x128xf32, #tpu.memory_space<hbm>> -> memref<100000x128xf32, #tpu.memory_space<hbm>>
    tpu.enqueue_indirect_dma source(%dma_start3A_345 : memref<100000x128xf32, #tpu.memory_space<hbm>>) target(%dma_start3A_339 : memref<128x128xf32, #tpu.memory_space<vmem>>) offsets(%dma_start3A_342 : memref<128xi32, #tpu.memory_space<vmem>>) semaphore(%arg10 : memref<!tpu.dma_semaphore, #tpu.memory_space<semaphore_mem>>)
    %dma_wait3A_346 = arith.constant 46 : i32
    %dma_wait3A_347 = arith.constant 1 : i32
    %dma_wait3A_348 = arith.constant 0 : i32
    %dma_wait3A_349 = arith.constant 0 : i32
    %dma_wait3A_350 = tpu.memref_slice %arg6[%dma_wait3A_347, %dma_wait3A_348, %dma_wait3A_349] : memref<5x128x128xf32, #tpu.memory_space<vmem>> -> memref<1x128x128xf32, #tpu.memory_space<vmem>>
    %dma_wait3A_351 = tpu.memref_squeeze %dma_wait3A_350 : memref<1x128x128xf32, #tpu.memory_space<vmem>> -> memref<128x128xf32, #tpu.memory_space<vmem>>
    %dma_wait3A_352 = arith.constant 0 : i32
    %dma_wait3A_353 = tpu.memref_slice %arg5[%dma_wait3A_346, %dma_wait3A_352] : memref<50x128xi32, #tpu.memory_space<vmem>> -> memref<1x128xi32, #tpu.memory_space<vmem>>
    %dma_wait3A_354 = tpu.memref_squeeze %dma_wait3A_353 : memref<1x128xi32, #tpu.memory_space<vmem>> -> memref<128xi32, #tpu.memory_space<vmem>>
    %dma_wait3A_355 = arith.constant 0 : i32
    %dma_wait3A_356 = arith.constant 0 : i32
    %dma_wait3A_357 = tpu.memref_slice %arg3[%dma_wait3A_355, %dma_wait3A_356] : memref<100000x128xf32, #tpu.memory_space<hbm>> -> memref<100000x128xf32, #tpu.memory_space<hbm>>
    tpu.wait_indirect_dma semaphore(%arg8 : memref<!tpu.dma_semaphore, #tpu.memory_space<semaphore_mem>>) src(%dma_wait3A_357 : memref<100000x128xf32, #tpu.memory_space<hbm>>) dst(%dma_wait3A_351 : memref<128x128xf32, #tpu.memory_space<vmem>>)
    %dma_start3A_358 = arith.constant 1 : i32
    %dma_start3A_359 = arith.constant 46 : i32
    %dma_start3A_360 = arith.constant 0 : i32
    %dma_start3A_361 = arith.constant 0 : i32
    %dma_start3A_362 = tpu.memref_slice %arg6[%dma_start3A_358, %dma_start3A_360, %dma_start3A_361] : memref<5x128x128xf32, #tpu.memory_space<vmem>> -> memref<1x128x128xf32, #tpu.memory_space<vmem>>
    %dma_start3A_363 = tpu.memref_squeeze %dma_start3A_362 : memref<1x128x128xf32, #tpu.memory_space<vmem>> -> memref<128x128xf32, #tpu.memory_space<vmem>>
    %dma_start3A_364 = arith.constant 0 : i32
    %dma_start3A_365 = tpu.memref_slice %arg4[%dma_start3A_359, %mul3A_2, %dma_start3A_364] : memref<50x4096x128xf32, #tpu.memory_space<hbm>> -> memref<1x128x128xf32, #tpu.memory_space<hbm>>
    %dma_start3A_366 = tpu.memref_squeeze %dma_start3A_365 : memref<1x128x128xf32, #tpu.memory_space<hbm>> -> memref<128x128xf32, #tpu.memory_space<hbm>>
    %dma_start3A_367 = arith.constant 0 : i32
    %dma_start3A_368 = tpu.memref_slice %arg4[%dma_start3A_359, %mul3A_2, %dma_start3A_367] : memref<50x4096x128xf32, #tpu.memory_space<hbm>> -> memref<1x128x128xf32, #tpu.memory_space<hbm>>
    %dma_start3A_369 = tpu.memref_squeeze %dma_start3A_368 : memref<1x128x128xf32, #tpu.memory_space<hbm>> -> memref<128x128xf32, #tpu.memory_space<hbm>>
    %dma_start3A_370 = arith.constant 0 : i32
    %dma_start3A_371 = arith.constant 0 : i32
    %dma_start3A_372 = tpu.memref_slice %arg6[%dma_start3A_358, %dma_start3A_370, %dma_start3A_371] : memref<5x128x128xf32, #tpu.memory_space<vmem>> -> memref<1x128x128xf32, #tpu.memory_space<vmem>>
    %dma_start3A_373 = tpu.memref_squeeze %dma_start3A_372 : memref<1x128x128xf32, #tpu.memory_space<vmem>> -> memref<128x128xf32, #tpu.memory_space<vmem>>
    tpu.enqueue_dma source(%dma_start3A_373 : memref<128x128xf32, #tpu.memory_space<vmem>>) target(%dma_start3A_369 : memref<128x128xf32, #tpu.memory_space<hbm>>) target_semaphore(%arg8 : memref<!tpu.dma_semaphore, #tpu.memory_space<semaphore_mem>>)
    %dma_wait3A_374 = arith.constant 4 : i32
    %dma_wait3A_375 = arith.constant 44 : i32
    %dma_wait3A_376 = arith.constant 0 : i32
    %dma_wait3A_377 = arith.constant 0 : i32
    %dma_wait3A_378 = tpu.memref_slice %arg6[%dma_wait3A_374, %dma_wait3A_376, %dma_wait3A_377] : memref<5x128x128xf32, #tpu.memory_space<vmem>> -> memref<1x128x128xf32, #tpu.memory_space<vmem>>
    %dma_wait3A_379 = tpu.memref_squeeze %dma_wait3A_378 : memref<1x128x128xf32, #tpu.memory_space<vmem>> -> memref<128x128xf32, #tpu.memory_space<vmem>>
    %dma_wait3A_380 = arith.constant 0 : i32
    %dma_wait3A_381 = tpu.memref_slice %arg4[%dma_wait3A_375, %mul3A_2, %dma_wait3A_380] : memref<50x4096x128xf32, #tpu.memory_space<hbm>> -> memref<1x128x128xf32, #tpu.memory_space<hbm>>
    %dma_wait3A_382 = tpu.memref_squeeze %dma_wait3A_381 : memref<1x128x128xf32, #tpu.memory_space<hbm>> -> memref<128x128xf32, #tpu.memory_space<hbm>>
    %dma_wait3A_383 = arith.constant 0 : i32
    %dma_wait3A_384 = tpu.memref_slice %arg4[%dma_wait3A_375, %mul3A_2, %dma_wait3A_383] : memref<50x4096x128xf32, #tpu.memory_space<hbm>> -> memref<1x128x128xf32, #tpu.memory_space<hbm>>
    %dma_wait3A_385 = tpu.memref_squeeze %dma_wait3A_384 : memref<1x128x128xf32, #tpu.memory_space<hbm>> -> memref<128x128xf32, #tpu.memory_space<hbm>>
    %dma_wait3A_386 = arith.constant 0 : i32
    %dma_wait3A_387 = arith.constant 0 : i32
    %dma_wait3A_388 = tpu.memref_slice %arg6[%dma_wait3A_374, %dma_wait3A_386, %dma_wait3A_387] : memref<5x128x128xf32, #tpu.memory_space<vmem>> -> memref<1x128x128xf32, #tpu.memory_space<vmem>>
    %dma_wait3A_389 = tpu.memref_squeeze %dma_wait3A_388 : memref<1x128x128xf32, #tpu.memory_space<vmem>> -> memref<128x128xf32, #tpu.memory_space<vmem>>
    tpu.wait_dma2 semaphore(%arg11 : memref<!tpu.dma_semaphore, #tpu.memory_space<semaphore_mem>>) src(%dma_wait3A_389 : memref<128x128xf32, #tpu.memory_space<vmem>>) dst(%dma_wait3A_385 : memref<128x128xf32, #tpu.memory_space<hbm>>)
    %dma_start3A_390 = arith.constant 49 : i32
    %dma_start3A_391 = arith.constant 4 : i32
    %dma_start3A_392 = arith.constant 0 : i32
    %dma_start3A_393 = arith.constant 0 : i32
    %dma_start3A_394 = tpu.memref_slice %arg6[%dma_start3A_391, %dma_start3A_392, %dma_start3A_393] : memref<5x128x128xf32, #tpu.memory_space<vmem>> -> memref<1x128x128xf32, #tpu.memory_space<vmem>>
    %dma_start3A_395 = tpu.memref_squeeze %dma_start3A_394 : memref<1x128x128xf32, #tpu.memory_space<vmem>> -> memref<128x128xf32, #tpu.memory_space<vmem>>
    %dma_start3A_396 = arith.constant 0 : i32
    %dma_start3A_397 = tpu.memref_slice %arg5[%dma_start3A_390, %dma_start3A_396] : memref<50x128xi32, #tpu.memory_space<vmem>> -> memref<1x128xi32, #tpu.memory_space<vmem>>
    %dma_start3A_398 = tpu.memref_squeeze %dma_start3A_397 : memref<1x128xi32, #tpu.memory_space<vmem>> -> memref<128xi32, #tpu.memory_space<vmem>>
    %dma_start3A_399 = arith.constant 0 : i32
    %dma_start3A_400 = arith.constant 0 : i32
    %dma_start3A_401 = tpu.memref_slice %arg3[%dma_start3A_399, %dma_start3A_400] : memref<100000x128xf32, #tpu.memory_space<hbm>> -> memref<100000x128xf32, #tpu.memory_space<hbm>>
    tpu.enqueue_indirect_dma source(%dma_start3A_401 : memref<100000x128xf32, #tpu.memory_space<hbm>>) target(%dma_start3A_395 : memref<128x128xf32, #tpu.memory_space<vmem>>) offsets(%dma_start3A_398 : memref<128xi32, #tpu.memory_space<vmem>>) semaphore(%arg11 : memref<!tpu.dma_semaphore, #tpu.memory_space<semaphore_mem>>)
    %dma_wait3A_402 = arith.constant 47 : i32
    %dma_wait3A_403 = arith.constant 2 : i32
    %dma_wait3A_404 = arith.constant 0 : i32
    %dma_wait3A_405 = arith.constant 0 : i32
    %dma_wait3A_406 = tpu.memref_slice %arg6[%dma_wait3A_403, %dma_wait3A_404, %dma_wait3A_405] : memref<5x128x128xf32, #tpu.memory_space<vmem>> -> memref<1x128x128xf32, #tpu.memory_space<vmem>>
    %dma_wait3A_407 = tpu.memref_squeeze %dma_wait3A_406 : memref<1x128x128xf32, #tpu.memory_space<vmem>> -> memref<128x128xf32, #tpu.memory_space<vmem>>
    %dma_wait3A_408 = arith.constant 0 : i32
    %dma_wait3A_409 = tpu.memref_slice %arg5[%dma_wait3A_402, %dma_wait3A_408] : memref<50x128xi32, #tpu.memory_space<vmem>> -> memref<1x128xi32, #tpu.memory_space<vmem>>
    %dma_wait3A_410 = tpu.memref_squeeze %dma_wait3A_409 : memref<1x128xi32, #tpu.memory_space<vmem>> -> memref<128xi32, #tpu.memory_space<vmem>>
    %dma_wait3A_411 = arith.constant 0 : i32
    %dma_wait3A_412 = arith.constant 0 : i32
    %dma_wait3A_413 = tpu.memref_slice %arg3[%dma_wait3A_411, %dma_wait3A_412] : memref<100000x128xf32, #tpu.memory_space<hbm>> -> memref<100000x128xf32, #tpu.memory_space<hbm>>
    tpu.wait_indirect_dma semaphore(%arg9 : memref<!tpu.dma_semaphore, #tpu.memory_space<semaphore_mem>>) src(%dma_wait3A_413 : memref<100000x128xf32, #tpu.memory_space<hbm>>) dst(%dma_wait3A_407 : memref<128x128xf32, #tpu.memory_space<vmem>>)
    %dma_start3A_414 = arith.constant 2 : i32
    %dma_start3A_415 = arith.constant 47 : i32
    %dma_start3A_416 = arith.constant 0 : i32
    %dma_start3A_417 = arith.constant 0 : i32
    %dma_start3A_418 = tpu.memref_slice %arg6[%dma_start3A_414, %dma_start3A_416, %dma_start3A_417] : memref<5x128x128xf32, #tpu.memory_space<vmem>> -> memref<1x128x128xf32, #tpu.memory_space<vmem>>
    %dma_start3A_419 = tpu.memref_squeeze %dma_start3A_418 : memref<1x128x128xf32, #tpu.memory_space<vmem>> -> memref<128x128xf32, #tpu.memory_space<vmem>>
    %dma_start3A_420 = arith.constant 0 : i32
    %dma_start3A_421 = tpu.memref_slice %arg4[%dma_start3A_415, %mul3A_2, %dma_start3A_420] : memref<50x4096x128xf32, #tpu.memory_space<hbm>> -> memref<1x128x128xf32, #tpu.memory_space<hbm>>
    %dma_start3A_422 = tpu.memref_squeeze %dma_start3A_421 : memref<1x128x128xf32, #tpu.memory_space<hbm>> -> memref<128x128xf32, #tpu.memory_space<hbm>>
    %dma_start3A_423 = arith.constant 0 : i32
    %dma_start3A_424 = tpu.memref_slice %arg4[%dma_start3A_415, %mul3A_2, %dma_start3A_423] : memref<50x4096x128xf32, #tpu.memory_space<hbm>> -> memref<1x128x128xf32, #tpu.memory_space<hbm>>
    %dma_start3A_425 = tpu.memref_squeeze %dma_start3A_424 : memref<1x128x128xf32, #tpu.memory_space<hbm>> -> memref<128x128xf32, #tpu.memory_space<hbm>>
    %dma_start3A_426 = arith.constant 0 : i32
    %dma_start3A_427 = arith.constant 0 : i32
    %dma_start3A_428 = tpu.memref_slice %arg6[%dma_start3A_414, %dma_start3A_426, %dma_start3A_427] : memref<5x128x128xf32, #tpu.memory_space<vmem>> -> memref<1x128x128xf32, #tpu.memory_space<vmem>>
    %dma_start3A_429 = tpu.memref_squeeze %dma_start3A_428 : memref<1x128x128xf32, #tpu.memory_space<vmem>> -> memref<128x128xf32, #tpu.memory_space<vmem>>
    tpu.enqueue_dma source(%dma_start3A_429 : memref<128x128xf32, #tpu.memory_space<vmem>>) target(%dma_start3A_425 : memref<128x128xf32, #tpu.memory_space<hbm>>) target_semaphore(%arg9 : memref<!tpu.dma_semaphore, #tpu.memory_space<semaphore_mem>>)
    %dma_wait3A_430 = arith.constant 48 : i32
    %dma_wait3A_431 = arith.constant 3 : i32
    %dma_wait3A_432 = arith.constant 0 : i32
    %dma_wait3A_433 = arith.constant 0 : i32
    %dma_wait3A_434 = tpu.memref_slice %arg6[%dma_wait3A_431, %dma_wait3A_432, %dma_wait3A_433] : memref<5x128x128xf32, #tpu.memory_space<vmem>> -> memref<1x128x128xf32, #tpu.memory_space<vmem>>
    %dma_wait3A_435 = tpu.memref_squeeze %dma_wait3A_434 : memref<1x128x128xf32, #tpu.memory_space<vmem>> -> memref<128x128xf32, #tpu.memory_space<vmem>>
    %dma_wait3A_436 = arith.constant 0 : i32
    %dma_wait3A_437 = tpu.memref_slice %arg5[%dma_wait3A_430, %dma_wait3A_436] : memref<50x128xi32, #tpu.memory_space<vmem>> -> memref<1x128xi32, #tpu.memory_space<vmem>>
    %dma_wait3A_438 = tpu.memref_squeeze %dma_wait3A_437 : memref<1x128xi32, #tpu.memory_space<vmem>> -> memref<128xi32, #tpu.memory_space<vmem>>
    %dma_wait3A_439 = arith.constant 0 : i32
    %dma_wait3A_440 = arith.constant 0 : i32
    %dma_wait3A_441 = tpu.memref_slice %arg3[%dma_wait3A_439, %dma_wait3A_440] : memref<100000x128xf32, #tpu.memory_space<hbm>> -> memref<100000x128xf32, #tpu.memory_space<hbm>>
    tpu.wait_indirect_dma semaphore(%arg10 : memref<!tpu.dma_semaphore, #tpu.memory_space<semaphore_mem>>) src(%dma_wait3A_441 : memref<100000x128xf32, #tpu.memory_space<hbm>>) dst(%dma_wait3A_435 : memref<128x128xf32, #tpu.memory_space<vmem>>)
    %dma_start3A_442 = arith.constant 3 : i32
    %dma_start3A_443 = arith.constant 48 : i32
    %dma_start3A_444 = arith.constant 0 : i32
    %dma_start3A_445 = arith.constant 0 : i32
    %dma_start3A_446 = tpu.memref_slice %arg6[%dma_start3A_442, %dma_start3A_444, %dma_start3A_445] : memref<5x128x128xf32, #tpu.memory_space<vmem>> -> memref<1x128x128xf32, #tpu.memory_space<vmem>>
    %dma_start3A_447 = tpu.memref_squeeze %dma_start3A_446 : memref<1x128x128xf32, #tpu.memory_space<vmem>> -> memref<128x128xf32, #tpu.memory_space<vmem>>
    %dma_start3A_448 = arith.constant 0 : i32
    %dma_start3A_449 = tpu.memref_slice %arg4[%dma_start3A_443, %mul3A_2, %dma_start3A_448] : memref<50x4096x128xf32, #tpu.memory_space<hbm>> -> memref<1x128x128xf32, #tpu.memory_space<hbm>>
    %dma_start3A_450 = tpu.memref_squeeze %dma_start3A_449 : memref<1x128x128xf32, #tpu.memory_space<hbm>> -> memref<128x128xf32, #tpu.memory_space<hbm>>
    %dma_start3A_451 = arith.constant 0 : i32
    %dma_start3A_452 = tpu.memref_slice %arg4[%dma_start3A_443, %mul3A_2, %dma_start3A_451] : memref<50x4096x128xf32, #tpu.memory_space<hbm>> -> memref<1x128x128xf32, #tpu.memory_space<hbm>>
    %dma_start3A_453 = tpu.memref_squeeze %dma_start3A_452 : memref<1x128x128xf32, #tpu.memory_space<hbm>> -> memref<128x128xf32, #tpu.memory_space<hbm>>
    %dma_start3A_454 = arith.constant 0 : i32
    %dma_start3A_455 = arith.constant 0 : i32
    %dma_start3A_456 = tpu.memref_slice %arg6[%dma_start3A_442, %dma_start3A_454, %dma_start3A_455] : memref<5x128x128xf32, #tpu.memory_space<vmem>> -> memref<1x128x128xf32, #tpu.memory_space<vmem>>
    %dma_start3A_457 = tpu.memref_squeeze %dma_start3A_456 : memref<1x128x128xf32, #tpu.memory_space<vmem>> -> memref<128x128xf32, #tpu.memory_space<vmem>>
    tpu.enqueue_dma source(%dma_start3A_457 : memref<128x128xf32, #tpu.memory_space<vmem>>) target(%dma_start3A_453 : memref<128x128xf32, #tpu.memory_space<hbm>>) target_semaphore(%arg10 : memref<!tpu.dma_semaphore, #tpu.memory_space<semaphore_mem>>)
    %dma_wait3A_458 = arith.constant 49 : i32
    %dma_wait3A_459 = arith.constant 4 : i32
    %dma_wait3A_460 = arith.constant 0 : i32
    %dma_wait3A_461 = arith.constant 0 : i32
    %dma_wait3A_462 = tpu.memref_slice %arg6[%dma_wait3A_459, %dma_wait3A_460, %dma_wait3A_461] : memref<5x128x128xf32, #tpu.memory_space<vmem>> -> memref<1x128x128xf32, #tpu.memory_space<vmem>>
    %dma_wait3A_463 = tpu.memref_squeeze %dma_wait3A_462 : memref<1x128x128xf32, #tpu.memory_space<vmem>> -> memref<128x128xf32, #tpu.memory_space<vmem>>
    %dma_wait3A_464 = arith.constant 0 : i32
    %dma_wait3A_465 = tpu.memref_slice %arg5[%dma_wait3A_458, %dma_wait3A_464] : memref<50x128xi32, #tpu.memory_space<vmem>> -> memref<1x128xi32, #tpu.memory_space<vmem>>
    %dma_wait3A_466 = tpu.memref_squeeze %dma_wait3A_465 : memref<1x128xi32, #tpu.memory_space<vmem>> -> memref<128xi32, #tpu.memory_space<vmem>>
    %dma_wait3A_467 = arith.constant 0 : i32
    %dma_wait3A_468 = arith.constant 0 : i32
    %dma_wait3A_469 = tpu.memref_slice %arg3[%dma_wait3A_467, %dma_wait3A_468] : memref<100000x128xf32, #tpu.memory_space<hbm>> -> memref<100000x128xf32, #tpu.memory_space<hbm>>
    tpu.wait_indirect_dma semaphore(%arg11 : memref<!tpu.dma_semaphore, #tpu.memory_space<semaphore_mem>>) src(%dma_wait3A_469 : memref<100000x128xf32, #tpu.memory_space<hbm>>) dst(%dma_wait3A_463 : memref<128x128xf32, #tpu.memory_space<vmem>>)
    %dma_start3A_470 = arith.constant 4 : i32
    %dma_start3A_471 = arith.constant 49 : i32
    %dma_start3A_472 = arith.constant 0 : i32
    %dma_start3A_473 = arith.constant 0 : i32
    %dma_start3A_474 = tpu.memref_slice %arg6[%dma_start3A_470, %dma_start3A_472, %dma_start3A_473] : memref<5x128x128xf32, #tpu.memory_space<vmem>> -> memref<1x128x128xf32, #tpu.memory_space<vmem>>
    %dma_start3A_475 = tpu.memref_squeeze %dma_start3A_474 : memref<1x128x128xf32, #tpu.memory_space<vmem>> -> memref<128x128xf32, #tpu.memory_space<vmem>>
    %dma_start3A_476 = arith.constant 0 : i32
    %dma_start3A_477 = tpu.memref_slice %arg4[%dma_start3A_471, %mul3A_2, %dma_start3A_476] : memref<50x4096x128xf32, #tpu.memory_space<hbm>> -> memref<1x128x128xf32, #tpu.memory_space<hbm>>
    %dma_start3A_478 = tpu.memref_squeeze %dma_start3A_477 : memref<1x128x128xf32, #tpu.memory_space<hbm>> -> memref<128x128xf32, #tpu.memory_space<hbm>>
    %dma_start3A_479 = arith.constant 0 : i32
    %dma_start3A_480 = tpu.memref_slice %arg4[%dma_start3A_471, %mul3A_2, %dma_start3A_479] : memref<50x4096x128xf32, #tpu.memory_space<hbm>> -> memref<1x128x128xf32, #tpu.memory_space<hbm>>
    %dma_start3A_481 = tpu.memref_squeeze %dma_start3A_480 : memref<1x128x128xf32, #tpu.memory_space<hbm>> -> memref<128x128xf32, #tpu.memory_space<hbm>>
    %dma_start3A_482 = arith.constant 0 : i32
    %dma_start3A_483 = arith.constant 0 : i32
    %dma_start3A_484 = tpu.memref_slice %arg6[%dma_start3A_470, %dma_start3A_482, %dma_start3A_483] : memref<5x128x128xf32, #tpu.memory_space<vmem>> -> memref<1x128x128xf32, #tpu.memory_space<vmem>>
    %dma_start3A_485 = tpu.memref_squeeze %dma_start3A_484 : memref<1x128x128xf32, #tpu.memory_space<vmem>> -> memref<128x128xf32, #tpu.memory_space<vmem>>
    tpu.enqueue_dma source(%dma_start3A_485 : memref<128x128xf32, #tpu.memory_space<vmem>>) target(%dma_start3A_481 : memref<128x128xf32, #tpu.memory_space<hbm>>) target_semaphore(%arg11 : memref<!tpu.dma_semaphore, #tpu.memory_space<semaphore_mem>>)
    %dma_wait3A_486 = arith.constant 0 : i32
    %dma_wait3A_487 = arith.constant 45 : i32
    %dma_wait3A_488 = arith.constant 0 : i32
    %dma_wait3A_489 = arith.constant 0 : i32
    %dma_wait3A_490 = tpu.memref_slice %arg6[%dma_wait3A_486, %dma_wait3A_488, %dma_wait3A_489] : memref<5x128x128xf32, #tpu.memory_space<vmem>> -> memref<1x128x128xf32, #tpu.memory_space<vmem>>
    %dma_wait3A_491 = tpu.memref_squeeze %dma_wait3A_490 : memref<1x128x128xf32, #tpu.memory_space<vmem>> -> memref<128x128xf32, #tpu.memory_space<vmem>>
    %dma_wait3A_492 = arith.constant 0 : i32
    %dma_wait3A_493 = tpu.memref_slice %arg4[%dma_wait3A_487, %mul3A_2, %dma_wait3A_492] : memref<50x4096x128xf32, #tpu.memory_space<hbm>> -> memref<1x128x128xf32, #tpu.memory_space<hbm>>
    %dma_wait3A_494 = tpu.memref_squeeze %dma_wait3A_493 : memref<1x128x128xf32, #tpu.memory_space<hbm>> -> memref<128x128xf32, #tpu.memory_space<hbm>>
    %dma_wait3A_495 = arith.constant 0 : i32
    %dma_wait3A_496 = tpu.memref_slice %arg4[%dma_wait3A_487, %mul3A_2, %dma_wait3A_495] : memref<50x4096x128xf32, #tpu.memory_space<hbm>> -> memref<1x128x128xf32, #tpu.memory_space<hbm>>
    %dma_wait3A_497 = tpu.memref_squeeze %dma_wait3A_496 : memref<1x128x128xf32, #tpu.memory_space<hbm>> -> memref<128x128xf32, #tpu.memory_space<hbm>>
    %dma_wait3A_498 = arith.constant 0 : i32
    %dma_wait3A_499 = arith.constant 0 : i32
    %dma_wait3A_500 = tpu.memref_slice %arg6[%dma_wait3A_486, %dma_wait3A_498, %dma_wait3A_499] : memref<5x128x128xf32, #tpu.memory_space<vmem>> -> memref<1x128x128xf32, #tpu.memory_space<vmem>>
    %dma_wait3A_501 = tpu.memref_squeeze %dma_wait3A_500 : memref<1x128x128xf32, #tpu.memory_space<vmem>> -> memref<128x128xf32, #tpu.memory_space<vmem>>
    tpu.wait_dma2 semaphore(%arg7 : memref<!tpu.dma_semaphore, #tpu.memory_space<semaphore_mem>>) src(%dma_wait3A_501 : memref<128x128xf32, #tpu.memory_space<vmem>>) dst(%dma_wait3A_497 : memref<128x128xf32, #tpu.memory_space<hbm>>)
    %dma_wait3A_502 = arith.constant 1 : i32
    %dma_wait3A_503 = arith.constant 46 : i32
    %dma_wait3A_504 = arith.constant 0 : i32
    %dma_wait3A_505 = arith.constant 0 : i32
    %dma_wait3A_506 = tpu.memref_slice %arg6[%dma_wait3A_502, %dma_wait3A_504, %dma_wait3A_505] : memref<5x128x128xf32, #tpu.memory_space<vmem>> -> memref<1x128x128xf32, #tpu.memory_space<vmem>>
    %dma_wait3A_507 = tpu.memref_squeeze %dma_wait3A_506 : memref<1x128x128xf32, #tpu.memory_space<vmem>> -> memref<128x128xf32, #tpu.memory_space<vmem>>
    %dma_wait3A_508 = arith.constant 0 : i32
    %dma_wait3A_509 = tpu.memref_slice %arg4[%dma_wait3A_503, %mul3A_2, %dma_wait3A_508] : memref<50x4096x128xf32, #tpu.memory_space<hbm>> -> memref<1x128x128xf32, #tpu.memory_space<hbm>>
    %dma_wait3A_510 = tpu.memref_squeeze %dma_wait3A_509 : memref<1x128x128xf32, #tpu.memory_space<hbm>> -> memref<128x128xf32, #tpu.memory_space<hbm>>
    %dma_wait3A_511 = arith.constant 0 : i32
    %dma_wait3A_512 = tpu.memref_slice %arg4[%dma_wait3A_503, %mul3A_2, %dma_wait3A_511] : memref<50x4096x128xf32, #tpu.memory_space<hbm>> -> memref<1x128x128xf32, #tpu.memory_space<hbm>>
    %dma_wait3A_513 = tpu.memref_squeeze %dma_wait3A_512 : memref<1x128x128xf32, #tpu.memory_space<hbm>> -> memref<128x128xf32, #tpu.memory_space<hbm>>
    %dma_wait3A_514 = arith.constant 0 : i32
    %dma_wait3A_515 = arith.constant 0 : i32
    %dma_wait3A_516 = tpu.memref_slice %arg6[%dma_wait3A_502, %dma_wait3A_514, %dma_wait3A_515] : memref<5x128x128xf32, #tpu.memory_space<vmem>> -> memref<1x128x128xf32, #tpu.memory_space<vmem>>
    %dma_wait3A_517 = tpu.memref_squeeze %dma_wait3A_516 : memref<1x128x128xf32, #tpu.memory_space<vmem>> -> memref<128x128xf32, #tpu.memory_space<vmem>>
    tpu.wait_dma2 semaphore(%arg8 : memref<!tpu.dma_semaphore, #tpu.memory_space<semaphore_mem>>) src(%dma_wait3A_517 : memref<128x128xf32, #tpu.memory_space<vmem>>) dst(%dma_wait3A_513 : memref<128x128xf32, #tpu.memory_space<hbm>>)
    %dma_wait3A_518 = arith.constant 2 : i32
    %dma_wait3A_519 = arith.constant 47 : i32
    %dma_wait3A_520 = arith.constant 0 : i32
    %dma_wait3A_521 = arith.constant 0 : i32
    %dma_wait3A_522 = tpu.memref_slice %arg6[%dma_wait3A_518, %dma_wait3A_520, %dma_wait3A_521] : memref<5x128x128xf32, #tpu.memory_space<vmem>> -> memref<1x128x128xf32, #tpu.memory_space<vmem>>
    %dma_wait3A_523 = tpu.memref_squeeze %dma_wait3A_522 : memref<1x128x128xf32, #tpu.memory_space<vmem>> -> memref<128x128xf32, #tpu.memory_space<vmem>>
    %dma_wait3A_524 = arith.constant 0 : i32
    %dma_wait3A_525 = tpu.memref_slice %arg4[%dma_wait3A_519, %mul3A_2, %dma_wait3A_524] : memref<50x4096x128xf32, #tpu.memory_space<hbm>> -> memref<1x128x128xf32, #tpu.memory_space<hbm>>
    %dma_wait3A_526 = tpu.memref_squeeze %dma_wait3A_525 : memref<1x128x128xf32, #tpu.memory_space<hbm>> -> memref<128x128xf32, #tpu.memory_space<hbm>>
    %dma_wait3A_527 = arith.constant 0 : i32
    %dma_wait3A_528 = tpu.memref_slice %arg4[%dma_wait3A_519, %mul3A_2, %dma_wait3A_527] : memref<50x4096x128xf32, #tpu.memory_space<hbm>> -> memref<1x128x128xf32, #tpu.memory_space<hbm>>
    %dma_wait3A_529 = tpu.memref_squeeze %dma_wait3A_528 : memref<1x128x128xf32, #tpu.memory_space<hbm>> -> memref<128x128xf32, #tpu.memory_space<hbm>>
    %dma_wait3A_530 = arith.constant 0 : i32
    %dma_wait3A_531 = arith.constant 0 : i32
    %dma_wait3A_532 = tpu.memref_slice %arg6[%dma_wait3A_518, %dma_wait3A_530, %dma_wait3A_531] : memref<5x128x128xf32, #tpu.memory_space<vmem>> -> memref<1x128x128xf32, #tpu.memory_space<vmem>>
    %dma_wait3A_533 = tpu.memref_squeeze %dma_wait3A_532 : memref<1x128x128xf32, #tpu.memory_space<vmem>> -> memref<128x128xf32, #tpu.memory_space<vmem>>
    tpu.wait_dma2 semaphore(%arg9 : memref<!tpu.dma_semaphore, #tpu.memory_space<semaphore_mem>>) src(%dma_wait3A_533 : memref<128x128xf32, #tpu.memory_space<vmem>>) dst(%dma_wait3A_529 : memref<128x128xf32, #tpu.memory_space<hbm>>)
    %dma_wait3A_534 = arith.constant 3 : i32
    %dma_wait3A_535 = arith.constant 48 : i32
    %dma_wait3A_536 = arith.constant 0 : i32
    %dma_wait3A_537 = arith.constant 0 : i32
    %dma_wait3A_538 = tpu.memref_slice %arg6[%dma_wait3A_534, %dma_wait3A_536, %dma_wait3A_537] : memref<5x128x128xf32, #tpu.memory_space<vmem>> -> memref<1x128x128xf32, #tpu.memory_space<vmem>>
    %dma_wait3A_539 = tpu.memref_squeeze %dma_wait3A_538 : memref<1x128x128xf32, #tpu.memory_space<vmem>> -> memref<128x128xf32, #tpu.memory_space<vmem>>
    %dma_wait3A_540 = arith.constant 0 : i32
    %dma_wait3A_541 = tpu.memref_slice %arg4[%dma_wait3A_535, %mul3A_2, %dma_wait3A_540] : memref<50x4096x128xf32, #tpu.memory_space<hbm>> -> memref<1x128x128xf32, #tpu.memory_space<hbm>>
    %dma_wait3A_542 = tpu.memref_squeeze %dma_wait3A_541 : memref<1x128x128xf32, #tpu.memory_space<hbm>> -> memref<128x128xf32, #tpu.memory_space<hbm>>
    %dma_wait3A_543 = arith.constant 0 : i32
    %dma_wait3A_544 = tpu.memref_slice %arg4[%dma_wait3A_535, %mul3A_2, %dma_wait3A_543] : memref<50x4096x128xf32, #tpu.memory_space<hbm>> -> memref<1x128x128xf32, #tpu.memory_space<hbm>>
    %dma_wait3A_545 = tpu.memref_squeeze %dma_wait3A_544 : memref<1x128x128xf32, #tpu.memory_space<hbm>> -> memref<128x128xf32, #tpu.memory_space<hbm>>
    %dma_wait3A_546 = arith.constant 0 : i32
    %dma_wait3A_547 = arith.constant 0 : i32
    %dma_wait3A_548 = tpu.memref_slice %arg6[%dma_wait3A_534, %dma_wait3A_546, %dma_wait3A_547] : memref<5x128x128xf32, #tpu.memory_space<vmem>> -> memref<1x128x128xf32, #tpu.memory_space<vmem>>
    %dma_wait3A_549 = tpu.memref_squeeze %dma_wait3A_548 : memref<1x128x128xf32, #tpu.memory_space<vmem>> -> memref<128x128xf32, #tpu.memory_space<vmem>>
    tpu.wait_dma2 semaphore(%arg10 : memref<!tpu.dma_semaphore, #tpu.memory_space<semaphore_mem>>) src(%dma_wait3A_549 : memref<128x128xf32, #tpu.memory_space<vmem>>) dst(%dma_wait3A_545 : memref<128x128xf32, #tpu.memory_space<hbm>>)
    %dma_wait3A_550 = arith.constant 4 : i32
    %dma_wait3A_551 = arith.constant 49 : i32
    %dma_wait3A_552 = arith.constant 0 : i32
    %dma_wait3A_553 = arith.constant 0 : i32
    %dma_wait3A_554 = tpu.memref_slice %arg6[%dma_wait3A_550, %dma_wait3A_552, %dma_wait3A_553] : memref<5x128x128xf32, #tpu.memory_space<vmem>> -> memref<1x128x128xf32, #tpu.memory_space<vmem>>
    %dma_wait3A_555 = tpu.memref_squeeze %dma_wait3A_554 : memref<1x128x128xf32, #tpu.memory_space<vmem>> -> memref<128x128xf32, #tpu.memory_space<vmem>>
    %dma_wait3A_556 = arith.constant 0 : i32
    %dma_wait3A_557 = tpu.memref_slice %arg4[%dma_wait3A_551, %mul3A_2, %dma_wait3A_556] : memref<50x4096x128xf32, #tpu.memory_space<hbm>> -> memref<1x128x128xf32, #tpu.memory_space<hbm>>
    %dma_wait3A_558 = tpu.memref_squeeze %dma_wait3A_557 : memref<1x128x128xf32, #tpu.memory_space<hbm>> -> memref<128x128xf32, #tpu.memory_space<hbm>>
    %dma_wait3A_559 = arith.constant 0 : i32
    %dma_wait3A_560 = tpu.memref_slice %arg4[%dma_wait3A_551, %mul3A_2, %dma_wait3A_559] : memref<50x4096x128xf32, #tpu.memory_space<hbm>> -> memref<1x128x128xf32, #tpu.memory_space<hbm>>
    %dma_wait3A_561 = tpu.memref_squeeze %dma_wait3A_560 : memref<1x128x128xf32, #tpu.memory_space<hbm>> -> memref<128x128xf32, #tpu.memory_space<hbm>>
    %dma_wait3A_562 = arith.constant 0 : i32
    %dma_wait3A_563 = arith.constant 0 : i32
    %dma_wait3A_564 = tpu.memref_slice %arg6[%dma_wait3A_550, %dma_wait3A_562, %dma_wait3A_563] : memref<5x128x128xf32, #tpu.memory_space<vmem>> -> memref<1x128x128xf32, #tpu.memory_space<vmem>>
    %dma_wait3A_565 = tpu.memref_squeeze %dma_wait3A_564 : memref<1x128x128xf32, #tpu.memory_space<vmem>> -> memref<128x128xf32, #tpu.memory_space<vmem>>
    tpu.wait_dma2 semaphore(%arg11 : memref<!tpu.dma_semaphore, #tpu.memory_space<semaphore_mem>>) src(%dma_wait3A_565 : memref<128x128xf32, #tpu.memory_space<vmem>>) dst(%dma_wait3A_561 : memref<128x128xf32, #tpu.memory_space<hbm>>)
    return
  }
}

</mosaic_0001>

<sc_bundles>
// kernel: kernel.3.cloned.1.call-start
scs
__scs_entry_jumppad:
0x0: {  	(pc) =	sbr.rel $0x88, $3  }
0x1: {  	(tag) =	ssettag $0x0;
	lr =	simm.s32 $0x1  }
0x2: {  	[smem:$0x3F9F] =	sst lr;
	_ =	strace $0xD0000000  }
0x3: {  	_ = 	snop  }
0x4: {  	_ = 	snop  }
0x5: {  	_ = 	snop  }
0x6: {  	_ = 	snop  }
0x7: {  	_ = 	snop  }
__scs_overlays_trampoline_lowered:
0x8: {  	[smem:$0x3FAE] =	sst s0  }
0x9: {  	[smem:$0x3FAF] =	sst s1  }
0xa: {  	[smem:$0x3FB0] =	sst s2  }
0xb: {  	[smem:$0x3FB1] =	sst s3  }
0xc: {  	[smem:$0x3FB2] =	sst s4  }
0xd: {  	[smem:$0x3FB3] =	sst s5  }
0xe: {  	[smem:$0x3FB4] =	sst s6  }
0xf: {  	[smem:$0x3FB5] =	sst s7  }
0x10: {  	[smem:$0x3FB6] =	sst s8  }
0x11: {  	[smem:$0x3FB7] =	sst s9;
	s0 =	simm.s32 @!p0 $0x0  }
0x12: {  	s1 =	sld [smem:$0x3F9D];
	s0 =	simm.s32 @p0 $0x1  }
0x13: {  	[smem:$0x3FB8] =	sst s0;
	s0 =	simm.s32 @!p1 $0x0  }
0x14: {  	s2 =	sld [smem:$0x3F9C];
	s0 =	simm.s32 @p1 $0x1  }
0x15: {  	[smem:$0x3FB9] =	sst s0;
	s0 =	simm.s32 @!p2 $0x0  }
0x16: {  	s3 =	sld [smem:$0x3FDB];
	s0 =	simm.s32 @p2 $0x1  }
0x17: {  	s4 =	simm.s32 $0x1BF5;
	[smem:$0x3FBB] =	sst s0  }
0x18: {  	s0 =	sld [smem:$0x3F9E];
	_ =	swait.ge [sflag:s4], $0x0  }
0x19: {  	s7 =	sld [smem:$0x3F9F]  }
0x1a: {  	s8 =	sadd.s32 $0xFFFFE003, lr  }
0x1b: {  	s9 =	sadd.s32 $0xFFFFFEF7, lr;
	s5 =	simm.s32 $0xFFFFFFFF;
	p2 =	slt.u32 s8, $0xFFFFF086  }
0x1c: {  	p1 =	slt.u32 s9, $0xF7A;
	s5 =	simm.s32 @!p2 $0x0  }
0x1d: {  	s5 =	simm.s32 @p1 $0x1;
	p0 =	seq.s32 s7, s2  }
0x1e: {  	s7 =	smul.u32 @!p0 $0xF7A, s2;
	p2 =	seq.s32 @!p0 s5, $0x0  }
0x1f: {  	s9 =	smul.u32 $0xF7A, s1;
	s8 =	simm.s32 @!p0 $0x1BF5;
	p2 =	por !p2, p0  }
0x20: {  	[sflag:s8] =	ssyncset.s32 @!p0 $0xFFFFF086;
	s6 =	sadd.s32 @!p0 s3, s7;
	s7 =	simm.s32 @!p0 $0x108  }
0x21: {  	s3 =	sadd.s32 s3, s9;
	s6 =	sadd.s32 @!p0 $0x88, s6;
	s7 =	simm.s32 @p2 $0x1082  }
0x22: {  	[simem:s7], [sflag:s8] =	dma.local @!p0 [hbm:s6], $0xF7A  }
0x23: {  	s9 =	sor.u32 $0xD0000000, s2;
	s6 =	simm.s32 $0x108;
	_ =	swait.ge @!p0 [sflag:s8], $0x0  }
0x24: {  	s3 =	sadd.s32 $0x88, s3;
	s6 =	simm.s32 @!p1 $0x1082;
	[sflag:s4] =	ssyncset.s32 $0xFFFFF086  }
0x25: {  	[simem:s6], [sflag:s4] =	dma.local [hbm:s3], $0xF7A  }
0x26: {  	[smem:$0x3F9F] =	sst s1;
	(tag) =	ssettag s2;
	_ =	strace s9  }
0x27: {  	s1 =	sld [smem:$0x3FAF]  }
0x28: {  	s2 =	sld [smem:$0x3FB0]  }
0x29: {  	s4 =	sld [smem:$0x3FB2]  }
0x2a: {  	p0 =	seq.s32 s5, $0x0;
	s5 =	sld [smem:$0x3FB3]  }
0x2b: {  	s6 =	sld [smem:$0x3FB4]  }
0x2c: {  	s7 =	sld [smem:$0x3FB5]  }
0x2d: {  	s3 =	simm.s32 $0x108;
	s8 =	sld [smem:$0x3FB6]  }
0x2e: {  	s3 =	simm.s32 @!p0 $0x1082;
	s9 =	sld [smem:$0x3FB7]  }
0x2f: {  	lr =	sadd.s32 s0, s3;
	s0 =	sld [smem:$0x3FAE]  }
0x30: {  	s3 =	sld [smem:$0x3FB1]  }
0x31: {  	[smem:$0x3FBA] =	sst s10  }
0x32: {  	s10 =	sld [smem:$0x3FB8];
	_ =	sdelay $0x3  }
0x33: {  	p0 =	seq.s32 s10, $0x1;
	s10 =	sld [smem:$0x3FBA];
	_ =	sdelay $0x3  }
0x34: {  	[smem:$0x3FBA] =	sst s10  }
0x35: {  	s10 =	sld [smem:$0x3FB9];
	_ =	sdelay $0x3  }
0x36: {  	p1 =	seq.s32 s10, $0x1;
	s10 =	sld [smem:$0x3FBA];
	_ =	sdelay $0x3  }
0x37: {  	[smem:$0x3FBA] =	sst s10  }
0x38: {  	s10 =	sld [smem:$0x3FBB]  }
0x39: {  	_ = 	snop;
	(pc) =	sbr.ind lr, $3  }
0x3a: {  	_ = 	snop  }
0x3b: {  	_ = 	snop  }
0x3c: {  	p2 =	seq.s32 s10, $0x1;
	s10 =	sld [smem:$0x3FBA]  }
0x3d: {  	_ =	shalt  }
0x3e: {  	_ =	shalt  }
0x3f: {  	_ =	shalt  }
0x40: {  	_ =	shalt  }
0x41: {  	_ =	shalt  }
0x42: {  	_ =	shalt  }
0x43: {  	_ =	shalt  }
0x44: {  	_ =	shalt  }
0x45: {  	_ =	shalt  }
0x46: {  	_ =	shalt  }
0x47: {  	_ =	shalt  }
0x48: {  	_ =	shalt  }
0x49: {  	_ =	shalt  }
0x4a: {  	_ =	shalt  }
0x4b: {  	_ =	shalt  }
0x4c: {  	_ =	shalt  }
0x4d: {  	_ =	shalt  }
0x4e: {  	_ =	shalt  }
0x4f: {  	_ =	shalt  }
0x50: {  	_ =	shalt  }
0x51: {  	_ =	shalt  }
0x52: {  	_ =	shalt  }
0x53: {  	_ =	shalt  }
0x54: {  	_ =	shalt  }
0x55: {  	_ =	shalt  }
0x56: {  	_ =	shalt  }
0x57: {  	_ =	shalt  }
0x58: {  	_ =	shalt  }
0x59: {  	_ =	shalt  }
0x5a: {  	_ =	shalt  }
0x5b: {  	_ =	shalt  }
0x5c: {  	_ =	shalt  }
0x5d: {  	_ =	shalt  }
0x5e: {  	_ =	shalt  }
0x5f: {  	_ =	shalt  }
0x60: {  	_ =	shalt  }
0x61: {  	_ =	shalt  }
0x62: {  	_ =	shalt  }
0x63: {  	_ =	shalt  }
0x64: {  	_ =	shalt  }
0x65: {  	_ =	shalt  }
0x66: {  	_ =	shalt  }
0x67: {  	_ =	shalt  }
0x68: {  	_ =	shalt  }
0x69: {  	_ =	shalt  }
0x6a: {  	_ =	shalt  }
0x6b: {  	_ =	shalt  }
0x6c: {  	_ =	shalt  }
0x6d: {  	_ =	shalt  }
0x6e: {  	_ =	shalt  }
0x6f: {  	_ =	shalt  }
0x70: {  	_ =	shalt  }
0x71: {  	_ =	shalt  }
0x72: {  	_ =	shalt  }
0x73: {  	_ =	shalt  }
0x74: {  	_ =	shalt  }
0x75: {  	_ =	shalt  }
0x76: {  	_ =	shalt  }
0x77: {  	_ =	shalt  }
0x78: {  	_ =	shalt  }
0x79: {  	_ =	shalt  }
0x7a: {  	_ =	shalt  }
0x7b: {  	_ =	shalt  }
0x7c: {  	_ =	shalt  }
0x7d: {  	_ =	shalt  }
0x7e: {  	_ =	shalt  }
0x7f: {  	_ =	shalt  }
0x80: {  	_ =	shalt  }
0x81: {  	_ =	shalt  }
0x82: {  	_ =	shalt  }
0x83: {  	_ =	shalt  }
0x84: {  	_ =	shalt  }
0x85: {  	_ =	shalt  }
0x86: {  	_ =	shalt  }
0x87: {  	_ =	shalt  }
.Lfunc_end0:
.L_simem_size_0:
called_computation_lowered:
.L_overlay_start_0:
0x88: {  	s2 =	sld [smem:$0x3FD9]  }
0x89: {  	s3 =	sld [smem:$0x3FFE];
	_ =	sdelay $0x1  }
0x8a: {  	s1 =	srdreg.scid  }
0x8b: {  	s0 =	sand.u32 $0x1, s1  }
0x8c: {  	s18 =	sshll.u32 s0, $0xA;
	s2 =	sadd.s32 s3, s2  }
0x8d: {  	s2 =	sadd.s32 s2, s18  }
0x8e: {  	[smem:$0x3FC6] =	sst s2  }
0x8f: {  	_ = 	snop  }
0x90: {  	s2 =	sld [smem:$0x3FC9]  }
0x91: {  	s19 =	sld [smem:$0x3FC8]  }
0x92: {  	s4 =	sld [smem:$0x3FD0];
	(tm) =	ssettm $0x1  }
0x93: {  	s5 =	sld [smem:$0x3FFB];
	_ =	sdelay $0x3  }
0x94: {  	_ =	strace s5  }
0x95: {  	s5 =	sld [smem:$0x3FFC];
	_ =	sdelay $0x3  }
0x96: {  	_ =	strace s5  }
0x97: {  	s5 =	sld [smem:$0x3FFD];
	_ =	sdelay $0x3  }
0x98: {  	_ =	strace s5  }
0x99: {  	_ =	strace $0x8FFFFFFF  }
0x9a: {  	s20 =	sld [smem:$0x3FDB];
	_ =	sdelay $0x1  }
0x9b: {  	s6 =	simm.s32 $_scs_section_size  }
0x9c: {  	s7 =	simm.s32 $_size__tile_overlayer_lowered;
	s8 =	simm.s32 $_tile_overlayer_lowered  }
0x9d: {  	s23 =	simm.s32 $0x1BFF;
	s22 =	sshll.u32 s8, $0x1;
	s5 =	sadd.s32 s6, s20  }
0x9e: {  	s9 =	simm.s32 $0x0;
	s21 =	sshll.u32 s7, $0x1;
	s7 =	sadd.s32 s22, s5  }
0x9f: {  	[timem:s9], [sflag:s23] =	dma.local [hbm:s7], s21  }
0xa0: {  	_ =	swait.ge [sflag:s23], s21  }
0xa1: {  	s6 =	ssub.s32 $0x0, s21;
	[sflag:s23] =	ssyncset.done $0x0  }
0xa2: {  	[sflag:s23] =	ssyncadd.s32 s6;
	_ =	sdelay $0x1  }
0xa3: {  	s24 =	simm.s32 $0x1B8B  }
0xa4: {  	_ =	swait.ge [sflag:s24], $0x1  }
0xa5: {  	[sflag:s24] =	ssyncset.done $0x0  }
0xa6: {  	s25 =	simm.s32 $0x1B8E;
	[sflag:s24] =	ssyncadd.s32 $0xFFFFFFFF  }
0xa7: {  	s26 =	simm.s32 $execute0_lowered;
	[smem:$0x3FD2] =	sst s25  }
0xa8: {  	s6 =	sshll.u32 s26, $0x1;
	_ =	strace $0x80000046;
	[dreg:$0x1] =	wrdreg $0xFFFFFFFF  }
0xa9: {  	s28 =	simm.s32 $_size_execute0_lowered;
	s5 =	sadd.s32 s5, s6;
	[dreg:$0x0] =	wrdreg $0x0  }
0xaa: {  	s6 =	sshll.u32 s28, $0x1;
	[dreg:$0x2] =	wrdreg s5  }
0xab: {  	[dreg:$0x3] =	wrdreg s6  }
0xac: {  	[dreg:$0x4] =	wrdreg $0xC0  }
0xad: {  	_ =	task [dreg:s9], $0x5FFFF  }
0xae: {  	[dreg:$0x1] =	wrdreg $0xFFFFFFFF  }
0xaf: {  	[dreg:$0x0] =	wrdreg $0x60  }
0xb0: {  	[dreg:$0x2] =	wrdreg s2  }
0xb1: {  	[dreg:$0x3] =	wrdreg s19  }
0xb2: {  	[dreg:$0x4] =	wrdreg s4  }
0xb3: {  	[dreg:$0x5] =	wrdreg $0x9  }
0xb4: {  	_ =	task.clear_ibuf [dreg:s9], $0x6FFFF;
	_ =	strace $0x90000046  }
0xb5: {  	s29 =	simm.s32 $0x9;
	_ =	strace $0x80000048  }
0xb6: {  	_ =	swait.ge [sflag:s29], $0x1  }
0xb7: {  	[sflag:s29] =	ssyncadd.s32 $0xFFFFFFFF  }
0xb8: {  	_ =	strace $0x90000048  }
0xb9: {  	_ =	sfence  }
0xba: {  	s30 =	sld [smem:$0x0];
	_ =	sdelay $0x2  }
0xbb: {  	s31 =	sshll.u32 s1, $0xD;
	s1 =	sshrl.u32 s1, $0x2  }
0xbc: {  	s3 =	sand.u32 $0x4000, s31;
	s1 =	sadd.s32 s1, s30  }
0xbd: {  	s0 =	sor.u32 s3, s0;
	s1 =	sshll.u32 s1, $0x11  }
0xbe: {  	s0 =	sor.u32 s1, s0  }
0xbf: {  	s0 =	sadd.s32 $0x8F2B, s0  }
0xc0: {  	[sflag:s0] =	ssyncadd.remote.s32 $0x1  }
0xc1: {  	_ =	sfence.sel $0xFFFF  }
0xc2: {  	[dreg:$0x0] =	wrdreg $0xFFFFFFFF;
	(pc) =	sbr.abs _section_cstart, $3  }
0xc3: {  	[dreg:$0x1] =	wrdreg $0xFFFFFFFF  }
0xc4: {  	_ =	task.clear_ibuf [dreg:s9], $0x2FFFF;
	_ =	strace $0x9FFFFFFF  }
0xc5: {  	(tm) =	ssettm $0x7FFFFFFF  }
tec
execute0_lowered:
.L_overlay_start_1:
0x0: {  	(tag) =	ssettag $0x1  }
0x1: {  	s0 =	rddreg [dreg:$0x0]  }
0x2: {  	s2 =	rddreg [dreg:$0x1]  }
0x3: {  	s3 =	rddreg [dreg:$0x2]  }
0x4: {  	s1 =	srdreg.scid;
	s9 =	stileid.u32  }
0x5: {  	s4 =	simm.s32 $0x0;
	s28 =	simm.s32 $0x80;
	s29 =	simm.s32 $0x1C00  }
0x6: {  	s30 =	simm.s32 $0x5C00;
	s31 =	simm.s32 $0x2;
	s1 =	sand.u32 $0x1, s1  }
0x7: {  	s5 =	sshll.u32 s9, $0x8;
	[smem:$0x7FF] =	sst s4;
	s14 =	sshll.u32 s9, $0xF  }
0x8: {  	s9 =	simm.s32 $0x5;
	s6 =	sshll.u32 s1, $0x7;
	_ =	strace $0x80000047  }
0x9: {  	s7 =	ssub.s32 $0x2, s1;
	s1 =	sshll.u32 s1, $0xE;
	s5 =	sor.u32 s6, s5  }
0xa: {  	s8 =	sshrl.u32 s7, $0x1;
	s1 =	sor.u32 s1, s14;
	s6 =	sshll.u32 s5, $0x4  }
0xb: {  	s5 =	sadd.s32 s0, s5;
	s26 =	ssub.s32 s7, s8;
	s19 =	sor.u32 $0x380000, s1  }
0xc: {  	s21 =	sor.u32 $0x300000, s1;
	s23 =	sor.u32 $0x480000, s1;
	s25 =	sor.u32 $0x400000, s1  }
0xd: {  	s7 =	simm.s32 $0x3;
	s6 =	sadd.s32 s3, s6;
	[dreg:$0x4] =	wrdreg s5  }
0xe: {  	s5 =	sadd.s32 $0x6000, s5;
	s0 =	smax.u32 s26, $0x1;
	s20 =	sshrl.u32 s19, $0x3  }
0xf: {  	s22 =	sshrl.u32 s21, $0x3;
	s24 =	sshrl.u32 s23, $0x3;
	[dreg:$0x5] =	wrdreg s5  }
0x10: {  	s26 =	sshrl.u32 s25, $0x3;
	s8 =	sadd.s32 $0x10000, s6;
	[dreg:$0xf] =	wrdreg s0  }
0x11: {  	s25 =	simm.s32 $0x1800;
	s10 =	sadd.s32 $0x20000, s6;
	[dreg:$0x6] =	wrdreg s8  }
0x12: {  	s23 =	simm.s32 $0x11C00;
	s11 =	sadd.s32 $0x30000, s6;
	[dreg:$0x7] =	wrdreg s10  }
0x13: {  	s12 =	sadd.s32 $0x40000, s6;
	s13 =	sadd.s32 $0x2D0000, s6;
	[dreg:$0x8] =	wrdreg s11  }
0x14: {  	s15 =	sadd.s32 $0x2E0000, s6;
	s16 =	sadd.s32 $0x2F0000, s6;
	[dreg:$0x9] =	wrdreg s12  }
0x15: {  	s17 =	sadd.s32 $0x300000, s6;
	s18 =	sadd.s32 $0x310000, s6;
	[dreg:$0xa] =	wrdreg s13  }
0x16: {  	s19 =	sadd.s32 s22, s3;
	s21 =	sadd.s32 s24, s3;
	[dreg:$0xb] =	wrdreg s15  }
0x17: {  	s22 =	sadd.s32 s26, s3;
	s26 =	simm.s32 $0x6;
	[dreg:$0xc] =	wrdreg s16  }
0x18: {  	s0 =	simm.s32 $0x9C00;
	s24 =	simm.s32 $0xDC00;
	[dreg:$0xd] =	wrdreg s17  }
0x19: {  	[dreg:$0xe] =	wrdreg s18;
	s18 =	sadd.s32 s20, s3;
	s20 =	sor.u32 $0x280000, s1  }
0x1a: {  	s1 =	simm.s32 $0x1;
	s8 =	simm.s32 $0x4;
	s10 =	simm.s32 $0x0  }
.LBB2_1:
0x1b: {  	s5 =	rddreg [dreg:$0x4];
	s11 =	simm.s32 $0x400;
	s12 =	simm.s32 $0x8000  }
0x1c: {  	[tilespmem:s4], [sflag:$0x6] =	stream.strided.gather [hbm4b:s5+s11], $0x1800, s12, s11, $0x38;
	[tilespmem:$0x15C00] =	vst v63  }
0x1d: {  	s16 =	rddreg [dreg:$0x5]  }
0x1e: {  	[tilespmem:s25], [sflag:$0x6] =	stream.linear.gather [hbm4b:s16+s4], $0x100, $0x38;
	[tilespmem:$0x15C00] =	vst v63  }
0x1f: {  	_ =	swait.ge [sflag:s26], $0x1900  }
0x20: {  	[sflag:s26] =	ssyncset.done $0x0  }
0x21: {  	[sflag:s26] =	ssyncadd.s32 $0xFFFFE700  }
0x22: {  	[tilespmem:s29], [sflag:$0x1] =	stream.indirect.gather [hbm4b:s2+s28], $0x80, s4, s28, $0xb8;
	[tilespmem:$0x15C00] =	vst v63  }
0x23: {  	_ = 	snop  }
0x24: {  	[tilespmem:s30], [sflag:$0x2] =	stream.indirect.gather [hbm4b:s2+s28], $0x80, s28, s28, $0xb8;
	[tilespmem:$0x15C00] =	vst v63  }
0x25: {  	s17 =	simm.s32 $0x100  }
0x26: {  	[tilespmem:s0], [sflag:$0x3] =	stream.indirect.gather [hbm4b:s2+s28], $0x80, s17, s28, $0xb8;
	[tilespmem:$0x15C00] =	vst v63  }
0x27: {  	_ =	swait.ge [sflag:s1], $0x4000  }
0x28: {  	[sflag:s1] =	ssyncset.done $0x0  }
0x29: {  	[sflag:s1] =	ssyncadd.s32 $0xFFFFC000  }
0x2a: {  	[hbm4b:s6+s4] =	stream.linear.scatter [tilespmem:s29], [sflag:$0x1], $0x4000, $0x38;
	[tilespmem:$0x15C00] =	vst v63  }
0x2b: {  	s11 =	simm.s32 $0x180  }
0x2c: {  	[tilespmem:s24], [sflag:$0x4] =	stream.indirect.gather [hbm4b:s2+s28], $0x80, s11, s28, $0xb8;
	[tilespmem:$0x15C00] =	vst v63  }
0x2d: {  	_ =	swait.ge [sflag:s31], $0x4000  }
0x2e: {  	[sflag:s31] =	ssyncset.done $0x0  }
0x2f: {  	s12 =	rddreg [dreg:$0x6];
	[sflag:s31] =	ssyncadd.s32 $0xFFFFC000  }
0x30: {  	[hbm4b:s12+s4] =	stream.linear.scatter [tilespmem:s30], [sflag:$0x2], $0x4000, $0x38;
	[tilespmem:$0x15C00] =	vst v63  }
0x31: {  	s13 =	simm.s32 $0x200  }
0x32: {  	[tilespmem:s23], [sflag:$0x5] =	stream.indirect.gather [hbm4b:s2+s28], $0x80, s13, s28, $0xb8;
	[tilespmem:$0x15C00] =	vst v63  }
0x33: {  	_ =	swait.ge [sflag:s7], $0x4000  }
0x34: {  	[sflag:s7] =	ssyncset.done $0x0  }
0x35: {  	s14 =	rddreg [dreg:$0x7];
	[sflag:s7] =	ssyncadd.s32 $0xFFFFC000  }
0x36: {  	[hbm4b:s14+s4] =	stream.linear.scatter [tilespmem:s0], [sflag:$0x3], $0x4000, $0x38;
	[tilespmem:$0x15C00] =	vst v63  }
0x37: {  	_ =	swait.ge [sflag:s1], $0x4000  }
0x38: {  	[sflag:s1] =	ssyncset.done $0x0  }
0x39: {  	s15 =	simm.s32 $0x280;
	[sflag:s1] =	ssyncadd.s32 $0xFFFFC000  }
0x3a: {  	[tilespmem:s29], [sflag:$0x1] =	stream.indirect.gather [hbm4b:s2+s28], $0x80, s15, s28, $0xb8;
	[tilespmem:$0x15C00] =	vst v63  }
0x3b: {  	_ =	swait.ge [sflag:s8], $0x4000  }
0x3c: {  	[sflag:s8] =	ssyncset.done $0x0  }
0x3d: {  	s16 =	rddreg [dreg:$0x8];
	[sflag:s8] =	ssyncadd.s32 $0xFFFFC000  }
0x3e: {  	[hbm4b:s16+s4] =	stream.linear.scatter [tilespmem:s24], [sflag:$0x4], $0x4000, $0x38;
	[tilespmem:$0x15C00] =	vst v63  }
0x3f: {  	_ =	swait.ge [sflag:s31], $0x4000  }
0x40: {  	[sflag:s31] =	ssyncset.done $0x0  }
0x41: {  	s17 =	simm.s32 $0x300;
	[sflag:s31] =	ssyncadd.s32 $0xFFFFC000  }
0x42: {  	[tilespmem:s30], [sflag:$0x2] =	stream.indirect.gather [hbm4b:s2+s28], $0x80, s17, s28, $0xb8;
	[tilespmem:$0x15C00] =	vst v63  }
0x43: {  	_ =	swait.ge [sflag:s9], $0x4000  }
0x44: {  	[sflag:s9] =	ssyncset.done $0x0  }
0x45: {  	s11 =	rddreg [dreg:$0x9];
	[sflag:s9] =	ssyncadd.s32 $0xFFFFC000  }
0x46: {  	[hbm4b:s11+s4] =	stream.linear.scatter [tilespmem:s23], [sflag:$0x5], $0x4000, $0x38;
	[tilespmem:$0x15C00] =	vst v63  }
0x47: {  	_ =	swait.ge [sflag:s7], $0x4000  }
0x48: {  	[sflag:s7] =	ssyncset.done $0x0  }
0x49: {  	s12 =	simm.s32 $0x380;
	[sflag:s7] =	ssyncadd.s32 $0xFFFFC000  }
0x4a: {  	[tilespmem:s0], [sflag:$0x3] =	stream.indirect.gather [hbm4b:s2+s28], $0x80, s12, s28, $0xb8;
	[tilespmem:$0x15C00] =	vst v63  }
0x4b: {  	_ =	swait.ge [sflag:s1], $0x4000  }
0x4c: {  	s13 =	sshrl.u32 s20, $0x3;
	[sflag:s1] =	ssyncset.done $0x0  }
0x4d: {  	s5 =	sadd.s32 s3, s13;
	[sflag:s1] =	ssyncadd.s32 $0xFFFFC000  }
0x4e: {  	[hbm4b:s5+s4] =	stream.linear.scatter [tilespmem:s29], [sflag:$0x1], $0x4000, $0x38;
	[tilespmem:$0x15C00] =	vst v63  }
0x4f: {  	_ =	swait.ge [sflag:s8], $0x4000  }
0x50: {  	[sflag:s8] =	ssyncset.done $0x0  }
0x51: {  	s14 =	simm.s32 $0x400;
	[sflag:s8] =	ssyncadd.s32 $0xFFFFC000  }
0x52: {  	[tilespmem:s24], [sflag:$0x4] =	stream.indirect.gather [hbm4b:s2+s28], $0x80, s14, s28, $0xb8;
	[tilespmem:$0x15C00] =	vst v63  }
0x53: {  	_ =	swait.ge [sflag:s31], $0x4000  }
0x54: {  	[sflag:s31] =	ssyncset.done $0x0  }
0x55: {  	[sflag:s31] =	ssyncadd.s32 $0xFFFFC000  }
0x56: {  	[hbm4b:s19+s4] =	stream.linear.scatter [tilespmem:s30], [sflag:$0x2], $0x4000, $0x38;
	[tilespmem:$0x15C00] =	vst v63  }
0x57: {  	_ =	swait.ge [sflag:s9], $0x4000  }
0x58: {  	[sflag:s9] =	ssyncset.done $0x0  }
0x59: {  	s15 =	simm.s32 $0x480;
	[sflag:s9] =	ssyncadd.s32 $0xFFFFC000  }
0x5a: {  	[tilespmem:s23], [sflag:$0x5] =	stream.indirect.gather [hbm4b:s2+s28], $0x80, s15, s28, $0xb8;
	[tilespmem:$0x15C00] =	vst v63  }
0x5b: {  	_ =	swait.ge [sflag:s7], $0x4000  }
0x5c: {  	[sflag:s7] =	ssyncset.done $0x0  }
0x5d: {  	[sflag:s7] =	ssyncadd.s32 $0xFFFFC000  }
0x5e: {  	[hbm4b:s18+s4] =	stream.linear.scatter [tilespmem:s0], [sflag:$0x3], $0x4000, $0x38;
	[tilespmem:$0x15C00] =	vst v63  }
0x5f: {  	_ =	swait.ge [sflag:s1], $0x4000  }
0x60: {  	[sflag:s1] =	ssyncset.done $0x0  }
0x61: {  	s16 =	simm.s32 $0x500;
	[sflag:s1] =	ssyncadd.s32 $0xFFFFC000  }
0x62: {  	[tilespmem:s29], [sflag:$0x1] =	stream.indirect.gather [hbm4b:s2+s28], $0x80, s16, s28, $0xb8;
	[tilespmem:$0x15C00] =	vst v63  }
0x63: {  	_ =	swait.ge [sflag:s8], $0x4000  }
0x64: {  	[sflag:s8] =	ssyncset.done $0x0  }
0x65: {  	[sflag:s8] =	ssyncadd.s32 $0xFFFFC000  }
0x66: {  	[hbm4b:s22+s4] =	stream.linear.scatter [tilespmem:s24], [sflag:$0x4], $0x4000, $0x38;
	[tilespmem:$0x15C00] =	vst v63  }
0x67: {  	_ =	swait.ge [sflag:s31], $0x4000  }
0x68: {  	[sflag:s31] =	ssyncset.done $0x0  }
0x69: {  	s17 =	simm.s32 $0x580;
	[sflag:s31] =	ssyncadd.s32 $0xFFFFC000  }
0x6a: {  	[tilespmem:s30], [sflag:$0x2] =	stream.indirect.gather [hbm4b:s2+s28], $0x80, s17, s28, $0xb8;
	[tilespmem:$0x15C00] =	vst v63  }
0x6b: {  	_ =	swait.ge [sflag:s9], $0x4000  }
0x6c: {  	[sflag:s9] =	ssyncset.done $0x0  }
0x6d: {  	s13 =	sadd.s32 $0x50000, s19;
	[sflag:s9] =	ssyncadd.s32 $0xFFFFC000  }
0x6e: {  	[hbm4b:s21+s4] =	stream.linear.scatter [tilespmem:s23], [sflag:$0x5], $0x4000, $0x38;
	[tilespmem:$0x15C00] =	vst v63  }
0x6f: {  	s11 =	simm.s32 $0xA00;
	s12 =	sadd.s32 $0x50000, s21;
	_ =	swait.ge [sflag:s7], $0x4000  }
0x70: {  	s5 =	sadd.s32 $0x50000, s22;
	s14 =	sadd.s32 $0x280000, s20;
	[sflag:s7] =	ssyncset.done $0x0  }
0x71: {  	s15 =	sadd.s32 $0x50000, s18;
	s16 =	simm.s32 $0x600;
	[sflag:s7] =	ssyncadd.s32 $0xFFFFC000  }
.LBB2_2:
0x72: {  	[tilespmem:s0], [sflag:$0x3] =	stream.indirect.gather [hbm4b:s2+s28], $0x80, s16, s28, $0xb8;
	[tilespmem:$0x15C00] =	vst v63  }
0x73: {  	s16 =	smov.u32 s11  }
0x74: {  	p0 =	sne.s32 s11, $0x4600;
	s11 =	sadd.s32 $0xA00, s11;
	_ =	swait.ge [sflag:s1], $0x4000  }
0x75: {  	s17 =	sshrl.u32 s14, $0x3;
	[sflag:s1] =	ssyncset.done $0x0  }
0x76: {  	s17 =	sadd.s32 s3, s17;
	[sflag:s1] =	ssyncadd.s32 $0xFFFFC000  }
0x77: {  	[hbm4b:s17+s4] =	stream.linear.scatter [tilespmem:s29], [sflag:$0x1], $0x4000, $0x38;
	[tilespmem:$0x15C00] =	vst v63  }
0x78: {  	_ =	swait.ge [sflag:s8], $0x4000  }
0x79: {  	s16 =	sshra.s32 s16, $0x2;
	[sflag:s8] =	ssyncset.done $0x0  }
0x7a: {  	s17 =	sadd.s32 $0x400, s16;
	[sflag:s8] =	ssyncadd.s32 $0xFFFFC000  }
0x7b: {  	[tilespmem:s24], [sflag:$0x4] =	stream.indirect.gather [hbm4b:s2+s28], $0x80, s17, s28, $0xb8;
	[tilespmem:$0x15C00] =	vst v63  }
0x7c: {  	_ =	swait.ge [sflag:s31], $0x4000  }
0x7d: {  	[sflag:s31] =	ssyncset.done $0x0  }
0x7e: {  	[sflag:s31] =	ssyncadd.s32 $0xFFFFC000  }
0x7f: {  	[hbm4b:s13+s4] =	stream.linear.scatter [tilespmem:s30], [sflag:$0x2], $0x4000, $0x38;
	[tilespmem:$0x15C00] =	vst v63  }
0x80: {  	_ =	swait.ge [sflag:s9], $0x4000  }
0x81: {  	[sflag:s9] =	ssyncset.done $0x0  }
0x82: {  	s17 =	sadd.s32 $0x480, s16;
	[sflag:s9] =	ssyncadd.s32 $0xFFFFC000  }
0x83: {  	[tilespmem:s23], [sflag:$0x5] =	stream.indirect.gather [hbm4b:s2+s28], $0x80, s17, s28, $0xb8;
	[tilespmem:$0x15C00] =	vst v63  }
0x84: {  	_ =	swait.ge [sflag:s7], $0x4000  }
0x85: {  	[sflag:s7] =	ssyncset.done $0x0  }
0x86: {  	[sflag:s7] =	ssyncadd.s32 $0xFFFFC000  }
0x87: {  	[hbm4b:s15+s4] =	stream.linear.scatter [tilespmem:s0], [sflag:$0x3], $0x4000, $0x38;
	[tilespmem:$0x15C00] =	vst v63  }
0x88: {  	_ =	swait.ge [sflag:s1], $0x4000  }
0x89: {  	[sflag:s1] =	ssyncset.done $0x0  }
0x8a: {  	s17 =	sadd.s32 $0x500, s16;
	[sflag:s1] =	ssyncadd.s32 $0xFFFFC000  }
0x8b: {  	[tilespmem:s29], [sflag:$0x1] =	stream.indirect.gather [hbm4b:s2+s28], $0x80, s17, s28, $0xb8;
	[tilespmem:$0x15C00] =	vst v63  }
0x8c: {  	_ =	swait.ge [sflag:s8], $0x4000  }
0x8d: {  	[sflag:s8] =	ssyncset.done $0x0  }
0x8e: {  	[sflag:s8] =	ssyncadd.s32 $0xFFFFC000  }
0x8f: {  	[hbm4b:s5+s4] =	stream.linear.scatter [tilespmem:s24], [sflag:$0x4], $0x4000, $0x38;
	[tilespmem:$0x15C00] =	vst v63  }
0x90: {  	_ =	swait.ge [sflag:s31], $0x4000  }
0x91: {  	[sflag:s31] =	ssyncset.done $0x0  }
0x92: {  	s17 =	sadd.s32 $0x580, s16;
	[sflag:s31] =	ssyncadd.s32 $0xFFFFC000  }
0x93: {  	[tilespmem:s30], [sflag:$0x2] =	stream.indirect.gather [hbm4b:s2+s28], $0x80, s17, s28, $0xb8;
	[tilespmem:$0x15C00] =	vst v63  }
0x94: {  	_ =	swait.ge [sflag:s9], $0x4000  }
0x95: {  	[sflag:s9] =	ssyncset.done $0x0  }
.Ltmp0:
0x96: {  	[sflag:s9] =	ssyncadd.s32 $0xFFFFC000;
	(pc) =	sbr.rel @p0 .LBB2_2-.Ltmp0, $4  }
0x97: {  	[hbm4b:s12+s4] =	stream.linear.scatter [tilespmem:s23], [sflag:$0x5], $0x4000, $0x38;
	[tilespmem:$0x15C00] =	vst v63  }
0x98: {  	s5 =	sadd.s32 $0x50000, s5;
	s12 =	sadd.s32 $0x50000, s12;
	_ =	swait.ge [sflag:s7], $0x4000  }
0x99: {  	s14 =	sadd.s32 $0x280000, s14;
	s13 =	sadd.s32 $0x50000, s13;
	[sflag:s7] =	ssyncset.done $0x0  }
0x9a: {  	s15 =	sadd.s32 $0x50000, s15;
	s16 =	sadd.s32 $0x600, s16;
	[sflag:s7] =	ssyncadd.s32 $0xFFFFC000  }
0x9b: {  	[tilespmem:s0], [sflag:$0x3] =	stream.indirect.gather [hbm4b:s2+s28], $0x80, s16, s28, $0xb8;
	[tilespmem:$0x15C00] =	vst v63  }
0x9c: {  	_ =	swait.ge [sflag:s1], $0x4000  }
0x9d: {  	[sflag:s1] =	ssyncset.done $0x0  }
0x9e: {  	s5 =	rddreg [dreg:$0xa];
	[sflag:s1] =	ssyncadd.s32 $0xFFFFC000  }
0x9f: {  	[hbm4b:s5+s4] =	stream.linear.scatter [tilespmem:s29], [sflag:$0x1], $0x4000, $0x38;
	[tilespmem:$0x15C00] =	vst v63  }
0xa0: {  	_ =	swait.ge [sflag:s8], $0x4000  }
0xa1: {  	[sflag:s8] =	ssyncset.done $0x0  }
0xa2: {  	[sflag:s8] =	ssyncadd.s32 $0xFFFFC000  }
0xa3: {  	[tilespmem:s24], [sflag:$0x4] =	stream.indirect.gather [hbm4b:s2+s28], $0x80, s25, s28, $0xb8;
	[tilespmem:$0x15C00] =	vst v63  }
0xa4: {  	_ =	swait.ge [sflag:s31], $0x4000  }
0xa5: {  	[sflag:s31] =	ssyncset.done $0x0  }
0xa6: {  	s12 =	rddreg [dreg:$0xb];
	[sflag:s31] =	ssyncadd.s32 $0xFFFFC000  }
0xa7: {  	[hbm4b:s12+s4] =	stream.linear.scatter [tilespmem:s30], [sflag:$0x2], $0x4000, $0x38;
	[tilespmem:$0x15C00] =	vst v63  }
0xa8: {  	_ =	swait.ge [sflag:s9], $0x4000  }
0xa9: {  	[sflag:s9] =	ssyncset.done $0x0  }
0xaa: {  	s13 =	simm.s32 $0x1880;
	[sflag:s9] =	ssyncadd.s32 $0xFFFFC000  }
0xab: {  	[tilespmem:s23], [sflag:$0x5] =	stream.indirect.gather [hbm4b:s2+s28], $0x80, s13, s28, $0xb8;
	[tilespmem:$0x15C00] =	vst v63  }
0xac: {  	_ =	swait.ge [sflag:s7], $0x4000  }
0xad: {  	[sflag:s7] =	ssyncset.done $0x0  }
0xae: {  	s14 =	rddreg [dreg:$0xc];
	[sflag:s7] =	ssyncadd.s32 $0xFFFFC000  }
0xaf: {  	[hbm4b:s14+s4] =	stream.linear.scatter [tilespmem:s0], [sflag:$0x3], $0x4000, $0x38;
	[tilespmem:$0x15C00] =	vst v63  }
0xb0: {  	_ =	swait.ge [sflag:s8], $0x4000  }
0xb1: {  	[sflag:s8] =	ssyncset.done $0x0  }
0xb2: {  	s15 =	rddreg [dreg:$0xd];
	[sflag:s8] =	ssyncadd.s32 $0xFFFFC000  }
0xb3: {  	[hbm4b:s15+s4] =	stream.linear.scatter [tilespmem:s24], [sflag:$0x4], $0x4000, $0x38;
	[tilespmem:$0x15C00] =	vst v63  }
0xb4: {  	_ =	swait.ge [sflag:s9], $0x4000  }
0xb5: {  	[sflag:s9] =	ssyncset.done $0x0  }
0xb6: {  	s16 =	rddreg [dreg:$0xe];
	[sflag:s9] =	ssyncadd.s32 $0xFFFFC000  }
0xb7: {  	[hbm4b:s16+s4] =	stream.linear.scatter [tilespmem:s23], [sflag:$0x5], $0x4000, $0x38;
	[tilespmem:$0x15C00] =	vst v63  }
0xb8: {  	_ =	swait.ge [sflag:s1], $0x4000  }
0xb9: {  	[sflag:s1] =	ssyncset.done $0x0  }
0xba: {  	[sflag:s1] =	ssyncadd.s32 $0xFFFFC000  }
0xbb: {  	_ =	swait.ge [sflag:s31], $0x4000  }
0xbc: {  	[sflag:s31] =	ssyncset.done $0x0  }
0xbd: {  	[sflag:s31] =	ssyncadd.s32 $0xFFFFC000  }
0xbe: {  	_ =	swait.ge [sflag:s7], $0x4000  }
0xbf: {  	[sflag:s7] =	ssyncset.done $0x0  }
0xc0: {  	[sflag:s7] =	ssyncadd.s32 $0xFFFFC000  }
0xc1: {  	_ =	swait.ge [sflag:s8], $0x4000  }
0xc2: {  	[sflag:s8] =	ssyncset.done $0x0  }
0xc3: {  	[sflag:s8] =	ssyncadd.s32 $0xFFFFC000  }
0xc4: {  	_ =	swait.ge [sflag:s9], $0x4000  }
0xc5: {  	s10 =	sadd.s32 $0x1, s10;
	s17 =	rddreg [dreg:$0xf]  }
0xc6: {  	p0 =	sne.s32 s10, s17  }
.Ltmp1:
0xc7: {  	_ = 	snop;
	(pc) =	sbr.rel @p0 .LBB2_1-.Ltmp1, $3  }
0xc8: {  	_ =	sdelay $0x1  }
0xc9: {  	[sflag:s9] =	ssyncset.done $0x0  }
0xca: {  	[sflag:s9] =	ssyncadd.s32 $0xFFFFC000  }
0xcb: {  	_ =	sfence.sel $0x180000  }
0xcc: {  	[bflag:$0x0] =	sbarrier.arrive $0xFFFF  }
0xcd: {  	_ =	strace $0x90000047  }
0xce: {  	s0 =	stileid.u32;
	[bflag:$0x2] =	sbarrier.arrive $0xFFFF  }
0xcf: {  	p0 =	sne.s32 s0, $0x0;
	s0 =	rddreg [dreg:$0x3]  }
0xd0: {  	s0 =	sadd.s32 @!p0 $0x100000, s0  }
0xd1: {  	[sflag:s0] =	ssyncadd.tile.s32 @!p0 $0x1;
	_ =	shalt  }
.Lfunc_end2:
_tile_overlayer_lowered:
.L_overlay_start_2:
0xd2: {  	(tag) =	ssettag $0x2  }
0xd3: {  	s0 =	rddreg [dreg:$0x0];
	s2 =	stileid.u32  }
0xd4: {  	s1 =	rddreg [dreg:$0x1];
	p0 =	sne.s32 s2, $0x0  }
0xd5: {  	s3 =	rddreg [dreg:$0x2];
	[bflag:$0x3] =	sbarrier.arrive $0xFFFF;
	s2 =	simm.s32 @!p0 $0x1C06  }
0xd6: {  	[timem:s3], [sflag:s2] =	dma.local @!p0 [hbm:s0], s1  }
0xd7: {  	s0 =	simm.s32 @!p0 $0x6  }
0xd8: {  	_ =	swait.ge @!p0 [sflag:s0], s1  }
0xd9: {  	s1 =	ssub.s32 @!p0 $0x0, s1;
	[sflag:s0] =	ssyncset.done @!p0 $0x0  }
0xda: {  	[sflag:s0] =	ssyncadd.s32 @!p0 s1  }
0xdb: {  	[bflag:$0x3] =	sbarrier.arrive $0xFFFF  }
0xdc: {  	_ =	shalt  }

</sc_bundles>
